<compile_context>
chip_gen: v7x
topology: tpu7x:2x2x1
jax: 0.10.2.dev20260603
libtpu: 0.0.44.dev20260713+nightly
codegen_flags: <defaults>
</compile_context>

<pallas_src>
import jax
import jax.numpy as jnp
from jax import lax
from jax.experimental import pallas as pl
from jax.experimental.pallas import tpu as pltpu
from jax.experimental.pallas import tpu_sc as plsc

N_NODES = 10000
N_EDGES = 320000
D_FEAT = 128
DP = D_FEAT // 2

NC = 2
NS = 16
NW = NC * NS
EPW = N_EDGES // NW
CHUNK = 200
NCHUNK = EPW // CHUNK
EUNROLL = 8


def _sc_scores(h_hbm, src_hbm, dst_hbm, scores_hbm,
               idx_s, idx_d, srows0, drows0, srows1, drows1, scores_v,
               sem_i, sem_s0, sem_d0, sem_s1, sem_d1):
    wid = lax.axis_index("s") * NC + lax.axis_index("c")
    base = wid * EPW
    lanes = lax.iota(jnp.int32, 16)

    sbufs = (srows0, srows1)
    dbufs = (drows0, drows1)
    ssems = (sem_s0, sem_s1)
    dsems = (sem_d0, sem_d1)

    cp_is = pltpu.async_copy(src_hbm.at[pl.ds(base, EPW)], idx_s, sem_i)
    cp_id = pltpu.async_copy(dst_hbm.at[pl.ds(base, EPW)], idx_d, sem_i)
    cp_is.wait()
    cp_id.wait()

    def issue(cc, b):
        isl = idx_s.at[pl.ds(cc * CHUNK, CHUNK)]
        idl = idx_d.at[pl.ds(cc * CHUNK, CHUNK)]
        pltpu.async_copy(h_hbm.at[isl], sbufs[b], ssems[b])
        pltpu.async_copy(h_hbm.at[idl], dbufs[b], dsems[b])

    def drain(b):
        isl = idx_s.at[pl.ds(0, CHUNK)]
        idl = idx_d.at[pl.ds(0, CHUNK)]
        pltpu.make_async_copy(h_hbm.at[isl], sbufs[b], ssems[b]).wait()
        pltpu.make_async_copy(h_hbm.at[idl], dbufs[b], dsems[b]).wait()

    def compute(cc, b):
        sw = sbufs[b]
        dw = dbufs[b]

        def e_body(i, carry2):
            for j in range(EUNROLL):
                e = i * EUNROLL + j
                accs = [jnp.zeros((16,), jnp.float32) for _ in range(2)]
                for k in range(DP // 16):
                    svk = sw[e, pl.ds(k * 16, 16)]
                    dvk = dw[e, pl.ds(k * 16, 16)]
                    p = (plsc.bitcast(svk, jnp.bfloat16)
                         * plsc.bitcast(dvk, jnp.bfloat16))
                    a, bb = plsc.unpack(p, format=plsc.PackFormat.INTERLEAVED)
                    accs[0] = accs[0] + a
                    accs[1] = accs[1] + bb
                s = plsc.cumsum(accs[0] + accs[1])
                plsc.store_scatter(
                    scores_v, [jnp.full((16,), cc * CHUNK + e, jnp.int32)],
                    s, mask=lanes == 15)
            return carry2

        lax.fori_loop(0, CHUNK // EUNROLL, e_body, 0)

    issue(0, 0)

    def pair_body(i, carry):
        for b in range(2):
            cc = 2 * i + b
            nxt = jnp.minimum(cc + 1, NCHUNK - 1)
            issue(nxt, 1 - b)
            drain(b)
            compute(cc, b)
        return carry

    lax.fori_loop(0, NCHUNK // 2, pair_body, 0)
    drain(0)

    pltpu.sync_copy(scores_v, scores_hbm.at[pl.ds(base, EPW)])


_sc_call = pl.kernel(
    _sc_scores,
    out_type=jax.ShapeDtypeStruct((N_EDGES,), jnp.float32),
    mesh=plsc.VectorSubcoreMesh(core_axis_name="c", subcore_axis_name="s"),
    compiler_params=pltpu.CompilerParams(needs_layout_passes=False,
                                         use_tc_tiling_on_sc=False),
    scratch_types=[
        pltpu.VMEM((EPW,), jnp.int32),
        pltpu.VMEM((EPW,), jnp.int32),
        pltpu.VMEM((CHUNK, DP), jnp.int32),
        pltpu.VMEM((CHUNK, DP), jnp.int32),
        pltpu.VMEM((CHUNK, DP), jnp.int32),
        pltpu.VMEM((CHUNK, DP), jnp.int32),
        pltpu.VMEM((EPW,), jnp.float32),
        pltpu.SemaphoreType.DMA,
        pltpu.SemaphoreType.DMA,
        pltpu.SemaphoreType.DMA,
        pltpu.SemaphoreType.DMA,
        pltpu.SemaphoreType.DMA,
    ],
)


def _norm_body(s_ref, o_ref):
    s = s_ref[...]
    mn = jnp.min(s)
    mx = jnp.max(s)
    o_ref[...] = jnp.where((s - mn) / (mx - mn) == 0.0, 0.0, 1.0)


def kernel(h, edge_index):
    ei = edge_index.astype(jnp.int32)
    hp = lax.bitcast_convert_type(
        h.astype(jnp.bfloat16).reshape(N_NODES, DP, 2), jnp.int32)
    scores = _sc_call(hp, ei[0], ei[1])
    s2d = scores.reshape(N_EDGES // 128, 128)
    out = pl.pallas_call(
        _norm_body,
        out_shape=jax.ShapeDtypeStruct(s2d.shape, jnp.float32),
    )(s2d)
    return out.reshape(N_EDGES, 1)

# --- scband reference (transcript-rebuilt; emitter-appended) ---
"""Pipeline reference for scband-dot-product-predictor-45887430591129 (READ-ONLY COPY).

The authoritative reference and input builder live on the scoring server;
editing this copy changes nothing except your own understanding.
"""

import jax, jax.numpy as jnp
import numpy as np

N_NODES = 10000
N_EDGES = 320000
D_FEAT = 128


def setup_inputs(seed: int = 0) -> dict:
    key = jax.random.key(seed)
    k_h, k_e = jax.random.split(key)
    h = jax.random.normal(k_h, (N_NODES, D_FEAT), dtype=jnp.float32)
    edge_index = jax.random.randint(k_e, (2, N_EDGES), 0, N_NODES, dtype=jnp.int64)
    return {"h": h, "edge_index": edge_index}


def reference(h, edge_index):
    # DGL apply_edges(fn.u_dot_v('h','h','score')): per-edge dot product of
    # source-node and destination-node features -> shape [E, 1]
    src = edge_index[0]
    dst = edge_index[1]
    h_src = jnp.take(h, src, axis=0)  # gather [E, d]
    h_dst = jnp.take(h, dst, axis=0)  # gather [E, d]
    score = jnp.sum(h_src * h_dst, axis=1, keepdims=True)  # [E, 1]
    # min-max normalize over all edge scores
    max_num = jnp.max(score)
    min_num = jnp.min(score)
    score = (score - min_num) / (max_num - min_num)
    # binarize: exact zeros stay 0, everything else -> 1 (faithful to the loop)
    score = jnp.where(score == 0.0, 0.0, 1.0)
    return score

if __name__ == "__main__":
    import jax
    _d = setup_inputs()
    print(jax.jit(kernel)(*tuple(_d.values())))

</pallas_src>

<mosaic_0001>
#map = affine_map<(d0, d1) -> (0, 0)>
#map1 = affine_map<(d0, d1) -> (0)>
module attributes {stable_mosaic.version = 14 : i64} {
  func.func @_sc_scores(%arg0: i32, %arg1: i32, %arg2: memref<10000x64xi32, #tpu.memory_space<hbm>>, %arg3: memref<320000xi32, #tpu.memory_space<hbm>>, %arg4: memref<320000xi32, #tpu.memory_space<hbm>>, %arg5: memref<320000xf32, #tpu.memory_space<hbm>>, %arg6: memref<10000xi32, #tpu.memory_space<vmem>>, %arg7: memref<10000xi32, #tpu.memory_space<vmem>>, %arg8: memref<200x64xi32, #tpu.memory_space<vmem>>, %arg9: memref<200x64xi32, #tpu.memory_space<vmem>>, %arg10: memref<200x64xi32, #tpu.memory_space<vmem>>, %arg11: memref<200x64xi32, #tpu.memory_space<vmem>>, %arg12: memref<10000xf32, #tpu.memory_space<vmem>>, %arg13: memref<!tpu.dma_semaphore, #tpu.memory_space<semaphore_mem>>, %arg14: memref<!tpu.dma_semaphore, #tpu.memory_space<semaphore_mem>>, %arg15: memref<!tpu.dma_semaphore, #tpu.memory_space<semaphore_mem>>, %arg16: memref<!tpu.dma_semaphore, #tpu.memory_space<semaphore_mem>>, %arg17: memref<!tpu.dma_semaphore, #tpu.memory_space<semaphore_mem>>) attributes {dimension_semantics = [#tpu.dimension_semantics<core_parallel>, #tpu.dimension_semantics<subcore_parallel>], iteration_bounds = array<i64: 2, 16>, scalar_prefetch = 0 : i64, scratch_operands = 12 : i64, tpu.core_type = #tpu.core_type<sc_vector_subcore>, window_params = [{transform_indices = #map}, {transform_indices = #map1}, {transform_indices = #map1}, {transform_indices = #map1}]} {
    %mul3A = arith.constant 2 : i32
    %mul3A_0 = arith.muli %arg1, %mul3A : i32
    %add3A = arith.addi %mul3A_0, %arg0 : i32
    %mul3A_1 = arith.constant 10000 : i32
    %mul3A_2 = arith.muli %add3A, %mul3A_1 : i32
    %iota3A = tpu.iota {dimensions = array<i32: 0>} : vector<16xi32>
    %dma_start3A = tpu.memref_slice %arg3[%mul3A_2] : memref<320000xi32, #tpu.memory_space<hbm>> -> memref<10000xi32, #tpu.memory_space<hbm>>
    %dma_start3A_3 = tpu.memref_slice %arg3[%mul3A_2] : memref<320000xi32, #tpu.memory_space<hbm>> -> memref<10000xi32, #tpu.memory_space<hbm>>
    tpu.enqueue_dma source(%dma_start3A_3 : memref<10000xi32, #tpu.memory_space<hbm>>) target(%arg6 : memref<10000xi32, #tpu.memory_space<vmem>>) target_semaphore(%arg13 : memref<!tpu.dma_semaphore, #tpu.memory_space<semaphore_mem>>)
    %dma_start3A_4 = tpu.memref_slice %arg4[%mul3A_2] : memref<320000xi32, #tpu.memory_space<hbm>> -> memref<10000xi32, #tpu.memory_space<hbm>>
    %dma_start3A_5 = tpu.memref_slice %arg4[%mul3A_2] : memref<320000xi32, #tpu.memory_space<hbm>> -> memref<10000xi32, #tpu.memory_space<hbm>>
    tpu.enqueue_dma source(%dma_start3A_5 : memref<10000xi32, #tpu.memory_space<hbm>>) target(%arg7 : memref<10000xi32, #tpu.memory_space<vmem>>) target_semaphore(%arg13 : memref<!tpu.dma_semaphore, #tpu.memory_space<semaphore_mem>>)
    %dma_wait3A = tpu.memref_slice %arg3[%mul3A_2] : memref<320000xi32, #tpu.memory_space<hbm>> -> memref<10000xi32, #tpu.memory_space<hbm>>
    %dma_wait3A_6 = tpu.memref_slice %arg3[%mul3A_2] : memref<320000xi32, #tpu.memory_space<hbm>> -> memref<10000xi32, #tpu.memory_space<hbm>>
    tpu.wait_dma2 semaphore(%arg13 : memref<!tpu.dma_semaphore, #tpu.memory_space<semaphore_mem>>) src(%dma_wait3A_6 : memref<10000xi32, #tpu.memory_space<hbm>>) dst(%arg6 : memref<10000xi32, #tpu.memory_space<vmem>>)
    %dma_wait3A_7 = tpu.memref_slice %arg4[%mul3A_2] : memref<320000xi32, #tpu.memory_space<hbm>> -> memref<10000xi32, #tpu.memory_space<hbm>>
    %dma_wait3A_8 = tpu.memref_slice %arg4[%mul3A_2] : memref<320000xi32, #tpu.memory_space<hbm>> -> memref<10000xi32, #tpu.memory_space<hbm>>
    tpu.wait_dma2 semaphore(%arg13 : memref<!tpu.dma_semaphore, #tpu.memory_space<semaphore_mem>>) src(%dma_wait3A_8 : memref<10000xi32, #tpu.memory_space<hbm>>) dst(%arg7 : memref<10000xi32, #tpu.memory_space<vmem>>)
    %dma_start3A_9 = arith.constant 0 : i32
    %dma_start3A_10 = tpu.memref_slice %arg6[%dma_start3A_9] : memref<10000xi32, #tpu.memory_space<vmem>> -> memref<200xi32, #tpu.memory_space<vmem>>
    %dma_start3A_11 = arith.constant 0 : i32
    %dma_start3A_12 = arith.constant 0 : i32
    %dma_start3A_13 = tpu.memref_slice %arg2[%dma_start3A_11, %dma_start3A_12] : memref<10000x64xi32, #tpu.memory_space<hbm>> -> memref<10000x64xi32, #tpu.memory_space<hbm>>
    tpu.enqueue_indirect_dma source(%dma_start3A_13 : memref<10000x64xi32, #tpu.memory_space<hbm>>) target(%arg8 : memref<200x64xi32, #tpu.memory_space<vmem>>) offsets(%dma_start3A_10 : memref<200xi32, #tpu.memory_space<vmem>>) semaphore(%arg14 : memref<!tpu.dma_semaphore, #tpu.memory_space<semaphore_mem>>)
    %dma_start3A_14 = arith.constant 0 : i32
    %dma_start3A_15 = tpu.memref_slice %arg7[%dma_start3A_14] : memref<10000xi32, #tpu.memory_space<vmem>> -> memref<200xi32, #tpu.memory_space<vmem>>
    %dma_start3A_16 = arith.constant 0 : i32
    %dma_start3A_17 = arith.constant 0 : i32
    %dma_start3A_18 = tpu.memref_slice %arg2[%dma_start3A_16, %dma_start3A_17] : memref<10000x64xi32, #tpu.memory_space<hbm>> -> memref<10000x64xi32, #tpu.memory_space<hbm>>
    tpu.enqueue_indirect_dma source(%dma_start3A_18 : memref<10000x64xi32, #tpu.memory_space<hbm>>) target(%arg9 : memref<200x64xi32, #tpu.memory_space<vmem>>) offsets(%dma_start3A_15 : memref<200xi32, #tpu.memory_space<vmem>>) semaphore(%arg15 : memref<!tpu.dma_semaphore, #tpu.memory_space<semaphore_mem>>)
    %scan3A = arith.constant 0 : i32
    %scan3A_19 = arith.constant 0 : i32
    %scan3A_20 = arith.constant 25 : i32
    %scan3A_21 = arith.addi %scan3A_19, %scan3A_20 : i32
    %scan3A_22 = arith.constant 1 : i32
    scf.for %scan3A_34 = %scan3A_19 to %scan3A_21 step %scan3A_22  : i32 {
      %mul3A_35 = arith.constant 2 : i32
      %mul3A_36 = arith.muli %mul3A_35, %scan3A_34 : i32
      %add3A_37 = arith.constant 0 : i32
      %add3A_38 = arith.addi %mul3A_36, %add3A_37 : i32
      %add3A_39 = arith.constant 1 : i32
      %add3A_40 = arith.addi %add3A_38, %add3A_39 : i32
      %min3A = arith.constant 49 : i32
      %min3A_41 = arith.minsi %add3A_40, %min3A : i32
      %mul3A_42 = arith.constant 200 : i32
      %mul3A_43 = arith.muli %min3A_41, %mul3A_42 : i32
      %mul3A_44 = arith.constant 200 : i32
      %mul3A_45 = arith.muli %min3A_41, %mul3A_44 : i32
      %dma_start3A_46 = tpu.memref_slice %arg6[%mul3A_43] : memref<10000xi32, #tpu.memory_space<vmem>> -> memref<200xi32, #tpu.memory_space<vmem>>
      %dma_start3A_47 = arith.constant 0 : i32
      %dma_start3A_48 = arith.constant 0 : i32
      %dma_start3A_49 = tpu.memref_slice %arg2[%dma_start3A_47, %dma_start3A_48] : memref<10000x64xi32, #tpu.memory_space<hbm>> -> memref<10000x64xi32, #tpu.memory_space<hbm>>
      tpu.enqueue_indirect_dma source(%dma_start3A_49 : memref<10000x64xi32, #tpu.memory_space<hbm>>) target(%arg10 : memref<200x64xi32, #tpu.memory_space<vmem>>) offsets(%dma_start3A_46 : memref<200xi32, #tpu.memory_space<vmem>>) semaphore(%arg16 : memref<!tpu.dma_semaphore, #tpu.memory_space<semaphore_mem>>)
      %dma_start3A_50 = tpu.memref_slice %arg7[%mul3A_45] : memref<10000xi32, #tpu.memory_space<vmem>> -> memref<200xi32, #tpu.memory_space<vmem>>
      %dma_start3A_51 = arith.constant 0 : i32
      %dma_start3A_52 = arith.constant 0 : i32
      %dma_start3A_53 = tpu.memref_slice %arg2[%dma_start3A_51, %dma_start3A_52] : memref<10000x64xi32, #tpu.memory_space<hbm>> -> memref<10000x64xi32, #tpu.memory_space<hbm>>
      tpu.enqueue_indirect_dma source(%dma_start3A_53 : memref<10000x64xi32, #tpu.memory_space<hbm>>) target(%arg11 : memref<200x64xi32, #tpu.memory_space<vmem>>) offsets(%dma_start3A_50 : memref<200xi32, #tpu.memory_space<vmem>>) semaphore(%arg17 : memref<!tpu.dma_semaphore, #tpu.memory_space<semaphore_mem>>)
      %dma_wait3A_54 = arith.constant 0 : i32
      %dma_wait3A_55 = tpu.memref_slice %arg6[%dma_wait3A_54] : memref<10000xi32, #tpu.memory_space<vmem>> -> memref<200xi32, #tpu.memory_space<vmem>>
      %dma_wait3A_56 = arith.constant 0 : i32
      %dma_wait3A_57 = arith.constant 0 : i32
      %dma_wait3A_58 = tpu.memref_slice %arg2[%dma_wait3A_56, %dma_wait3A_57] : memref<10000x64xi32, #tpu.memory_space<hbm>> -> memref<10000x64xi32, #tpu.memory_space<hbm>>
      tpu.wait_indirect_dma semaphore(%arg14 : memref<!tpu.dma_semaphore, #tpu.memory_space<semaphore_mem>>) src(%dma_wait3A_58 : memref<10000x64xi32, #tpu.memory_space<hbm>>) dst(%arg8 : memref<200x64xi32, #tpu.memory_space<vmem>>)
      %dma_wait3A_59 = arith.constant 0 : i32
      %dma_wait3A_60 = tpu.memref_slice %arg7[%dma_wait3A_59] : memref<10000xi32, #tpu.memory_space<vmem>> -> memref<200xi32, #tpu.memory_space<vmem>>
      %dma_wait3A_61 = arith.constant 0 : i32
      %dma_wait3A_62 = arith.constant 0 : i32
      %dma_wait3A_63 = tpu.memref_slice %arg2[%dma_wait3A_61, %dma_wait3A_62] : memref<10000x64xi32, #tpu.memory_space<hbm>> -> memref<10000x64xi32, #tpu.memory_space<hbm>>
      tpu.wait_indirect_dma semaphore(%arg15 : memref<!tpu.dma_semaphore, #tpu.memory_space<semaphore_mem>>) src(%dma_wait3A_63 : memref<10000x64xi32, #tpu.memory_space<hbm>>) dst(%arg9 : memref<200x64xi32, #tpu.memory_space<vmem>>)
      %scan3A_64 = arith.constant 0 : i32
      %scan3A_65 = arith.constant 0 : i32
      %scan3A_66 = arith.constant 25 : i32
      %scan3A_67 = arith.addi %scan3A_65, %scan3A_66 : i32
      %scan3A_68 = arith.constant 1 : i32
      scf.for %scan3A_106 = %scan3A_65 to %scan3A_67 step %scan3A_68  : i32 {
        %mul3A_107 = arith.constant 8 : i32
        %mul3A_108 = arith.muli %scan3A_106, %mul3A_107 : i32
        %add3A_109 = arith.constant 0 : i32
        %add3A_110 = arith.addi %mul3A_108, %add3A_109 : i32
        %broadcast_in_dim3A = arith.constant 0.000000e+00 : f32
        %broadcast_in_dim3A_111 = vector.broadcast %broadcast_in_dim3A : f32 to vector<16xf32>
        %broadcast_in_dim3A_112 = arith.constant 0.000000e+00 : f32
        %broadcast_in_dim3A_113 = vector.broadcast %broadcast_in_dim3A_112 : f32 to vector<16xf32>
        %get3A = arith.index_cast %add3A_110 : i32 to index
        %get3A_114 = arith.constant 0 : index
        %get3A_115 = tpu.vector_load %arg8[%get3A, %get3A_114] {strides = array<i32>} : memref<200x64xi32, #tpu.memory_space<vmem>>, vector<16xi32>,
        %get3A_116 = arith.index_cast %add3A_110 : i32 to index
        %get3A_117 = arith.constant 0 : index
        %get3A_118 = tpu.vector_load %arg9[%get3A_116, %get3A_117] {strides = array<i32>} : memref<200x64xi32, #tpu.memory_space<vmem>>, vector<16xi32>,
        %bitcast3A = vector.bitcast %get3A_115 : vector<16xi32> to vector<32xbf16>
        %bitcast3A_119 = vector.bitcast %get3A_118 : vector<16xi32> to vector<32xbf16>
        %mul3A_120 = arith.mulf %bitcast3A, %bitcast3A_119 : vector<32xbf16>
        %unpack3A = tpu.unpack_subelements %mul3A_120, 0 {pack_format = #tpu.pack_format<interleaved>} : vector<32xbf16> -> vector<16xf32>
        %unpack3A_121 = tpu.unpack_subelements %mul3A_120, 1 {pack_format = #tpu.pack_format<interleaved>} : vector<32xbf16> -> vector<16xf32>
        %add3A_122 = arith.addf %broadcast_in_dim3A_111, %unpack3A : vector<16xf32>
        %add3A_123 = arith.addf %broadcast_in_dim3A_113, %unpack3A_121 : vector<16xf32>
        %get3A_124 = arith.index_cast %add3A_110 : i32 to index
        %get3A_125 = arith.constant 16 : index
        %get3A_126 = tpu.vector_load %arg8[%get3A_124, %get3A_125] {strides = array<i32>} : memref<200x64xi32, #tpu.memory_space<vmem>>, vector<16xi32>,
        %get3A_127 = arith.index_cast %add3A_110 : i32 to index
        %get3A_128 = arith.constant 16 : index
        %get3A_129 = tpu.vector_load %arg9[%get3A_127, %get3A_128] {strides = array<i32>} : memref<200x64xi32, #tpu.memory_space<vmem>>, vector<16xi32>,
        %bitcast3A_130 = vector.bitcast %get3A_126 : vector<16xi32> to vector<32xbf16>
        %bitcast3A_131 = vector.bitcast %get3A_129 : vector<16xi32> to vector<32xbf16>
        %mul3A_132 = arith.mulf %bitcast3A_130, %bitcast3A_131 : vector<32xbf16>
        %unpack3A_133 = tpu.unpack_subelements %mul3A_132, 0 {pack_format = #tpu.pack_format<interleaved>} : vector<32xbf16> -> vector<16xf32>
        %unpack3A_134 = tpu.unpack_subelements %mul3A_132, 1 {pack_format = #tpu.pack_format<interleaved>} : vector<32xbf16> -> vector<16xf32>
        %add3A_135 = arith.addf %add3A_122, %unpack3A_133 : vector<16xf32>
        %add3A_136 = arith.addf %add3A_123, %unpack3A_134 : vector<16xf32>
        %get3A_137 = arith.index_cast %add3A_110 : i32 to index
        %get3A_138 = arith.constant 32 : index
        %get3A_139 = tpu.vector_load %arg8[%get3A_137, %get3A_138] {strides = array<i32>} : memref<200x64xi32, #tpu.memory_space<vmem>>, vector<16xi32>,
        %get3A_140 = arith.index_cast %add3A_110 : i32 to index
        %get3A_141 = arith.constant 32 : index
        %get3A_142 = tpu.vector_load %arg9[%get3A_140, %get3A_141] {strides = array<i32>} : memref<200x64xi32, #tpu.memory_space<vmem>>, vector<16xi32>,
        %bitcast3A_143 = vector.bitcast %get3A_139 : vector<16xi32> to vector<32xbf16>
        %bitcast3A_144 = vector.bitcast %get3A_142 : vector<16xi32> to vector<32xbf16>
        %mul3A_145 = arith.mulf %bitcast3A_143, %bitcast3A_144 : vector<32xbf16>
        %unpack3A_146 = tpu.unpack_subelements %mul3A_145, 0 {pack_format = #tpu.pack_format<interleaved>} : vector<32xbf16> -> vector<16xf32>
        %unpack3A_147 = tpu.unpack_subelements %mul3A_145, 1 {pack_format = #tpu.pack_format<interleaved>} : vector<32xbf16> -> vector<16xf32>
        %add3A_148 = arith.addf %add3A_135, %unpack3A_146 : vector<16xf32>
        %add3A_149 = arith.addf %add3A_136, %unpack3A_147 : vector<16xf32>
        %get3A_150 = arith.index_cast %add3A_110 : i32 to index
        %get3A_151 = arith.constant 48 : index
        %get3A_152 = tpu.vector_load %arg8[%get3A_150, %get3A_151] {strides = array<i32>} : memref<200x64xi32, #tpu.memory_space<vmem>>, vector<16xi32>,
        %get3A_153 = arith.index_cast %add3A_110 : i32 to index
        %get3A_154 = arith.constant 48 : index
        %get3A_155 = tpu.vector_load %arg9[%get3A_153, %get3A_154] {strides = array<i32>} : memref<200x64xi32, #tpu.memory_space<vmem>>, vector<16xi32>,
        %bitcast3A_156 = vector.bitcast %get3A_152 : vector<16xi32> to vector<32xbf16>
        %bitcast3A_157 = vector.bitcast %get3A_155 : vector<16xi32> to vector<32xbf16>
        %mul3A_158 = arith.mulf %bitcast3A_156, %bitcast3A_157 : vector<32xbf16>
        %unpack3A_159 = tpu.unpack_subelements %mul3A_158, 0 {pack_format = #tpu.pack_format<interleaved>} : vector<32xbf16> -> vector<16xf32>
        %unpack3A_160 = tpu.unpack_subelements %mul3A_158, 1 {pack_format = #tpu.pack_format<interleaved>} : vector<32xbf16> -> vector<16xf32>
        %add3A_161 = arith.addf %add3A_148, %unpack3A_159 : vector<16xf32>
        %add3A_162 = arith.addf %add3A_149, %unpack3A_160 : vector<16xf32>
        %add3A_163 = arith.addf %add3A_161, %add3A_162 : vector<16xf32>
        %broadcast_in_dim3A_164 = arith.constant true
        %broadcast_in_dim3A_165 = vector.broadcast %broadcast_in_dim3A_164 : i1 to vector<16xi1>
        %masked_cumsum3A = tpu.scan <sum>, %add3A_163 masked %broadcast_in_dim3A_165 : vector<16xf32>, vector<16xi1> -> vector<16xf32>
        %mul3A_166 = arith.constant 200 : i32
        %mul3A_167 = arith.muli %add3A_38, %mul3A_166 : i32
        %add3A_168 = arith.addi %mul3A_167, %add3A_110 : i32
        %broadcast_in_dim3A_169 = vector.broadcast %add3A_168 : i32 to vector<16xi32>
        %eq3A = arith.constant 15 : i32
        %eq3A_170 = vector.broadcast %eq3A : i32 to vector<16xi32>
        %eq3A_171 = arith.cmpi eq, %iota3A, %eq3A_170 : vector<16xi32>
        tpu.vector_store_idx %arg12[%broadcast_in_dim3A_169], %masked_cumsum3A masked %eq3A_171 : memref<10000xf32, #tpu.memory_space<vmem>>[vector<16xi32>], vector<16xf32>, vector<16xi1>
        %mul3A_172 = arith.constant 8 : i32
        %mul3A_173 = arith.muli %scan3A_106, %mul3A_172 : i32
        %add3A_174 = arith.constant 1 : i32
        %add3A_175 = arith.addi %mul3A_173, %add3A_174 : i32
        %broadcast_in_dim3A_176 = arith.constant 0.000000e+00 : f32
        %broadcast_in_dim3A_177 = vector.broadcast %broadcast_in_dim3A_176 : f32 to vector<16xf32>
        %broadcast_in_dim3A_178 = arith.constant 0.000000e+00 : f32
        %broadcast_in_dim3A_179 = vector.broadcast %broadcast_in_dim3A_178 : f32 to vector<16xf32>
        %get3A_180 = arith.index_cast %add3A_175 : i32 to index
        %get3A_181 = arith.constant 0 : index
        %get3A_182 = tpu.vector_load %arg8[%get3A_180, %get3A_181] {strides = array<i32>} : memref<200x64xi32, #tpu.memory_space<vmem>>, vector<16xi32>,
        %get3A_183 = arith.index_cast %add3A_175 : i32 to index
        %get3A_184 = arith.constant 0 : index
        %get3A_185 = tpu.vector_load %arg9[%get3A_183, %get3A_184] {strides = array<i32>} : memref<200x64xi32, #tpu.memory_space<vmem>>, vector<16xi32>,
        %bitcast3A_186 = vector.bitcast %get3A_182 : vector<16xi32> to vector<32xbf16>
        %bitcast3A_187 = vector.bitcast %get3A_185 : vector<16xi32> to vector<32xbf16>
        %mul3A_188 = arith.mulf %bitcast3A_186, %bitcast3A_187 : vector<32xbf16>
        %unpack3A_189 = tpu.unpack_subelements %mul3A_188, 0 {pack_format = #tpu.pack_format<interleaved>} : vector<32xbf16> -> vector<16xf32>
        %unpack3A_190 = tpu.unpack_subelements %mul3A_188, 1 {pack_format = #tpu.pack_format<interleaved>} : vector<32xbf16> -> vector<16xf32>
        %add3A_191 = arith.addf %broadcast_in_dim3A_177, %unpack3A_189 : vector<16xf32>
        %add3A_192 = arith.addf %broadcast_in_dim3A_179, %unpack3A_190 : vector<16xf32>
        %get3A_193 = arith.index_cast %add3A_175 : i32 to index
        %get3A_194 = arith.constant 16 : index
        %get3A_195 = tpu.vector_load %arg8[%get3A_193, %get3A_194] {strides = array<i32>} : memref<200x64xi32, #tpu.memory_space<vmem>>, vector<16xi32>,
        %get3A_196 = arith.index_cast %add3A_175 : i32 to index
        %get3A_197 = arith.constant 16 : index
        %get3A_198 = tpu.vector_load %arg9[%get3A_196, %get3A_197] {strides = array<i32>} : memref<200x64xi32, #tpu.memory_space<vmem>>, vector<16xi32>,
        %bitcast3A_199 = vector.bitcast %get3A_195 : vector<16xi32> to vector<32xbf16>
        %bitcast3A_200 = vector.bitcast %get3A_198 : vector<16xi32> to vector<32xbf16>
        %mul3A_201 = arith.mulf %bitcast3A_199, %bitcast3A_200 : vector<32xbf16>
        %unpack3A_202 = tpu.unpack_subelements %mul3A_201, 0 {pack_format = #tpu.pack_format<interleaved>} : vector<32xbf16> -> vector<16xf32>
        %unpack3A_203 = tpu.unpack_subelements %mul3A_201, 1 {pack_format = #tpu.pack_format<interleaved>} : vector<32xbf16> -> vector<16xf32>
        %add3A_204 = arith.addf %add3A_191, %unpack3A_202 : vector<16xf32>
        %add3A_205 = arith.addf %add3A_192, %unpack3A_203 : vector<16xf32>
        %get3A_206 = arith.index_cast %add3A_175 : i32 to index
        %get3A_207 = arith.constant 32 : index
        %get3A_208 = tpu.vector_load %arg8[%get3A_206, %get3A_207] {strides = array<i32>} : memref<200x64xi32, #tpu.memory_space<vmem>>, vector<16xi32>,
        %get3A_209 = arith.index_cast %add3A_175 : i32 to index
        %get3A_210 = arith.constant 32 : index
        %get3A_211 = tpu.vector_load %arg9[%get3A_209, %get3A_210] {strides = array<i32>} : memref<200x64xi32, #tpu.memory_space<vmem>>, vector<16xi32>,
        %bitcast3A_212 = vector.bitcast %get3A_208 : vector<16xi32> to vector<32xbf16>
        %bitcast3A_213 = vector.bitcast %get3A_211 : vector<16xi32> to vector<32xbf16>
        %mul3A_214 = arith.mulf %bitcast3A_212, %bitcast3A_213 : vector<32xbf16>
        %unpack3A_215 = tpu.unpack_subelements %mul3A_214, 0 {pack_format = #tpu.pack_format<interleaved>} : vector<32xbf16> -> vector<16xf32>
        %unpack3A_216 = tpu.unpack_subelements %mul3A_214, 1 {pack_format = #tpu.pack_format<interleaved>} : vector<32xbf16> -> vector<16xf32>
        %add3A_217 = arith.addf %add3A_204, %unpack3A_215 : vector<16xf32>
        %add3A_218 = arith.addf %add3A_205, %unpack3A_216 : vector<16xf32>
        %get3A_219 = arith.index_cast %add3A_175 : i32 to index
        %get3A_220 = arith.constant 48 : index
        %get3A_221 = tpu.vector_load %arg8[%get3A_219, %get3A_220] {strides = array<i32>} : memref<200x64xi32, #tpu.memory_space<vmem>>, vector<16xi32>,
        %get3A_222 = arith.index_cast %add3A_175 : i32 to index
        %get3A_223 = arith.constant 48 : index
        %get3A_224 = tpu.vector_load %arg9[%get3A_222, %get3A_223] {strides = array<i32>} : memref<200x64xi32, #tpu.memory_space<vmem>>, vector<16xi32>,
        %bitcast3A_225 = vector.bitcast %get3A_221 : vector<16xi32> to vector<32xbf16>
        %bitcast3A_226 = vector.bitcast %get3A_224 : vector<16xi32> to vector<32xbf16>
        %mul3A_227 = arith.mulf %bitcast3A_225, %bitcast3A_226 : vector<32xbf16>
        %unpack3A_228 = tpu.unpack_subelements %mul3A_227, 0 {pack_format = #tpu.pack_format<interleaved>} : vector<32xbf16> -> vector<16xf32>
        %unpack3A_229 = tpu.unpack_subelements %mul3A_227, 1 {pack_format = #tpu.pack_format<interleaved>} : vector<32xbf16> -> vector<16xf32>
        %add3A_230 = arith.addf %add3A_217, %unpack3A_228 : vector<16xf32>
        %add3A_231 = arith.addf %add3A_218, %unpack3A_229 : vector<16xf32>
        %add3A_232 = arith.addf %add3A_230, %add3A_231 : vector<16xf32>
        %broadcast_in_dim3A_233 = arith.constant true
        %broadcast_in_dim3A_234 = vector.broadcast %broadcast_in_dim3A_233 : i1 to vector<16xi1>
        %masked_cumsum3A_235 = tpu.scan <sum>, %add3A_232 masked %broadcast_in_dim3A_234 : vector<16xf32>, vector<16xi1> -> vector<16xf32>
        %mul3A_236 = arith.constant 200 : i32
        %mul3A_237 = arith.muli %add3A_38, %mul3A_236 : i32
        %add3A_238 = arith.addi %mul3A_237, %add3A_175 : i32
        %broadcast_in_dim3A_239 = vector.broadcast %add3A_238 : i32 to vector<16xi32>
        %eq3A_240 = arith.constant 15 : i32
        %eq3A_241 = vector.broadcast %eq3A_240 : i32 to vector<16xi32>
        %eq3A_242 = arith.cmpi eq, %iota3A, %eq3A_241 : vector<16xi32>
        tpu.vector_store_idx %arg12[%broadcast_in_dim3A_239], %masked_cumsum3A_235 masked %eq3A_242 : memref<10000xf32, #tpu.memory_space<vmem>>[vector<16xi32>], vector<16xf32>, vector<16xi1>
        %mul3A_243 = arith.constant 8 : i32
        %mul3A_244 = arith.muli %scan3A_106, %mul3A_243 : i32
        %add3A_245 = arith.constant 2 : i32
        %add3A_246 = arith.addi %mul3A_244, %add3A_245 : i32
        %broadcast_in_dim3A_247 = arith.constant 0.000000e+00 : f32
        %broadcast_in_dim3A_248 = vector.broadcast %broadcast_in_dim3A_247 : f32 to vector<16xf32>
        %broadcast_in_dim3A_249 = arith.constant 0.000000e+00 : f32
        %broadcast_in_dim3A_250 = vector.broadcast %broadcast_in_dim3A_249 : f32 to vector<16xf32>
        %get3A_251 = arith.index_cast %add3A_246 : i32 to index
        %get3A_252 = arith.constant 0 : index
        %get3A_253 = tpu.vector_load %arg8[%get3A_251, %get3A_252] {strides = array<i32>} : memref<200x64xi32, #tpu.memory_space<vmem>>, vector<16xi32>,
        %get3A_254 = arith.index_cast %add3A_246 : i32 to index
        %get3A_255 = arith.constant 0 : index
        %get3A_256 = tpu.vector_load %arg9[%get3A_254, %get3A_255] {strides = array<i32>} : memref<200x64xi32, #tpu.memory_space<vmem>>, vector<16xi32>,
        %bitcast3A_257 = vector.bitcast %get3A_253 : vector<16xi32> to vector<32xbf16>
        %bitcast3A_258 = vector.bitcast %get3A_256 : vector<16xi32> to vector<32xbf16>
        %mul3A_259 = arith.mulf %bitcast3A_257, %bitcast3A_258 : vector<32xbf16>
        %unpack3A_260 = tpu.unpack_subelements %mul3A_259, 0 {pack_format = #tpu.pack_format<interleaved>} : vector<32xbf16> -> vector<16xf32>
        %unpack3A_261 = tpu.unpack_subelements %mul3A_259, 1 {pack_format = #tpu.pack_format<interleaved>} : vector<32xbf16> -> vector<16xf32>
        %add3A_262 = arith.addf %broadcast_in_dim3A_248, %unpack3A_260 : vector<16xf32>
        %add3A_263 = arith.addf %broadcast_in_dim3A_250, %unpack3A_261 : vector<16xf32>
        %get3A_264 = arith.index_cast %add3A_246 : i32 to index
        %get3A_265 = arith.constant 16 : index
        %get3A_266 = tpu.vector_load %arg8[%get3A_264, %get3A_265] {strides = array<i32>} : memref<200x64xi32, #tpu.memory_space<vmem>>, vector<16xi32>,
        %get3A_267 = arith.index_cast %add3A_246 : i32 to index
        %get3A_268 = arith.constant 16 : index
        %get3A_269 = tpu.vector_load %arg9[%get3A_267, %get3A_268] {strides = array<i32>} : memref<200x64xi32, #tpu.memory_space<vmem>>, vector<16xi32>,
        %bitcast3A_270 = vector.bitcast %get3A_266 : vector<16xi32> to vector<32xbf16>
        %bitcast3A_271 = vector.bitcast %get3A_269 : vector<16xi32> to vector<32xbf16>
        %mul3A_272 = arith.mulf %bitcast3A_270, %bitcast3A_271 : vector<32xbf16>
        %unpack3A_273 = tpu.unpack_subelements %mul3A_272, 0 {pack_format = #tpu.pack_format<interleaved>} : vector<32xbf16> -> vector<16xf32>
        %unpack3A_274 = tpu.unpack_subelements %mul3A_272, 1 {pack_format = #tpu.pack_format<interleaved>} : vector<32xbf16> -> vector<16xf32>
        %add3A_275 = arith.addf %add3A_262, %unpack3A_273 : vector<16xf32>
        %add3A_276 = arith.addf %add3A_263, %unpack3A_274 : vector<16xf32>
        %get3A_277 = arith.index_cast %add3A_246 : i32 to index
        %get3A_278 = arith.constant 32 : index
        %get3A_279 = tpu.vector_load %arg8[%get3A_277, %get3A_278] {strides = array<i32>} : memref<200x64xi32, #tpu.memory_space<vmem>>, vector<16xi32>,
        %get3A_280 = arith.index_cast %add3A_246 : i32 to index
        %get3A_281 = arith.constant 32 : index
        %get3A_282 = tpu.vector_load %arg9[%get3A_280, %get3A_281] {strides = array<i32>} : memref<200x64xi32, #tpu.memory_space<vmem>>, vector<16xi32>,
        %bitcast3A_283 = vector.bitcast %get3A_279 : vector<16xi32> to vector<32xbf16>
        %bitcast3A_284 = vector.bitcast %get3A_282 : vector<16xi32> to vector<32xbf16>
        %mul3A_285 = arith.mulf %bitcast3A_283, %bitcast3A_284 : vector<32xbf16>
        %unpack3A_286 = tpu.unpack_subelements %mul3A_285, 0 {pack_format = #tpu.pack_format<interleaved>} : vector<32xbf16> -> vector<16xf32>
        %unpack3A_287 = tpu.unpack_subelements %mul3A_285, 1 {pack_format = #tpu.pack_format<interleaved>} : vector<32xbf16> -> vector<16xf32>
        %add3A_288 = arith.addf %add3A_275, %unpack3A_286 : vector<16xf32>
        %add3A_289 = arith.addf %add3A_276, %unpack3A_287 : vector<16xf32>
        %get3A_290 = arith.index_cast %add3A_246 : i32 to index
        %get3A_291 = arith.constant 48 : index
        %get3A_292 = tpu.vector_load %arg8[%get3A_290, %get3A_291] {strides = array<i32>} : memref<200x64xi32, #tpu.memory_space<vmem>>, vector<16xi32>,
        %get3A_293 = arith.index_cast %add3A_246 : i32 to index
        %get3A_294 = arith.constant 48 : index
        %get3A_295 = tpu.vector_load %arg9[%get3A_293, %get3A_294] {strides = array<i32>} : memref<200x64xi32, #tpu.memory_space<vmem>>, vector<16xi32>,
        %bitcast3A_296 = vector.bitcast %get3A_292 : vector<16xi32> to vector<32xbf16>
        %bitcast3A_297 = vector.bitcast %get3A_295 : vector<16xi32> to vector<32xbf16>
        %mul3A_298 = arith.mulf %bitcast3A_296, %bitcast3A_297 : vector<32xbf16>
        %unpack3A_299 = tpu.unpack_subelements %mul3A_298, 0 {pack_format = #tpu.pack_format<interleaved>} : vector<32xbf16> -> vector<16xf32>
        %unpack3A_300 = tpu.unpack_subelements %mul3A_298, 1 {pack_format = #tpu.pack_format<interleaved>} : vector<32xbf16> -> vector<16xf32>
        %add3A_301 = arith.addf %add3A_288, %unpack3A_299 : vector<16xf32>
        %add3A_302 = arith.addf %add3A_289, %unpack3A_300 : vector<16xf32>
        %add3A_303 = arith.addf %add3A_301, %add3A_302 : vector<16xf32>
        %broadcast_in_dim3A_304 = arith.constant true
        %broadcast_in_dim3A_305 = vector.broadcast %broadcast_in_dim3A_304 : i1 to vector<16xi1>
        %masked_cumsum3A_306 = tpu.scan <sum>, %add3A_303 masked %broadcast_in_dim3A_305 : vector<16xf32>, vector<16xi1> -> vector<16xf32>
        %mul3A_307 = arith.constant 200 : i32
        %mul3A_308 = arith.muli %add3A_38, %mul3A_307 : i32
        %add3A_309 = arith.addi %mul3A_308, %add3A_246 : i32
        %broadcast_in_dim3A_310 = vector.broadcast %add3A_309 : i32 to vector<16xi32>
        %eq3A_311 = arith.constant 15 : i32
        %eq3A_312 = vector.broadcast %eq3A_311 : i32 to vector<16xi32>
        %eq3A_313 = arith.cmpi eq, %iota3A, %eq3A_312 : vector<16xi32>
        tpu.vector_store_idx %arg12[%broadcast_in_dim3A_310], %masked_cumsum3A_306 masked %eq3A_313 : memref<10000xf32, #tpu.memory_space<vmem>>[vector<16xi32>], vector<16xf32>, vector<16xi1>
        %mul3A_314 = arith.constant 8 : i32
        %mul3A_315 = arith.muli %scan3A_106, %mul3A_314 : i32
        %add3A_316 = arith.constant 3 : i32
        %add3A_317 = arith.addi %mul3A_315, %add3A_316 : i32
        %broadcast_in_dim3A_318 = arith.constant 0.000000e+00 : f32
        %broadcast_in_dim3A_319 = vector.broadcast %broadcast_in_dim3A_318 : f32 to vector<16xf32>
        %broadcast_in_dim3A_320 = arith.constant 0.000000e+00 : f32
        %broadcast_in_dim3A_321 = vector.broadcast %broadcast_in_dim3A_320 : f32 to vector<16xf32>
        %get3A_322 = arith.index_cast %add3A_317 : i32 to index
        %get3A_323 = arith.constant 0 : index
        %get3A_324 = tpu.vector_load %arg8[%get3A_322, %get3A_323] {strides = array<i32>} : memref<200x64xi32, #tpu.memory_space<vmem>>, vector<16xi32>,
        %get3A_325 = arith.index_cast %add3A_317 : i32 to index
        %get3A_326 = arith.constant 0 : index
        %get3A_327 = tpu.vector_load %arg9[%get3A_325, %get3A_326] {strides = array<i32>} : memref<200x64xi32, #tpu.memory_space<vmem>>, vector<16xi32>,
        %bitcast3A_328 = vector.bitcast %get3A_324 : vector<16xi32> to vector<32xbf16>
        %bitcast3A_329 = vector.bitcast %get3A_327 : vector<16xi32> to vector<32xbf16>
        %mul3A_330 = arith.mulf %bitcast3A_328, %bitcast3A_329 : vector<32xbf16>
        %unpack3A_331 = tpu.unpack_subelements %mul3A_330, 0 {pack_format = #tpu.pack_format<interleaved>} : vector<32xbf16> -> vector<16xf32>
        %unpack3A_332 = tpu.unpack_subelements %mul3A_330, 1 {pack_format = #tpu.pack_format<interleaved>} : vector<32xbf16> -> vector<16xf32>
        %add3A_333 = arith.addf %broadcast_in_dim3A_319, %unpack3A_331 : vector<16xf32>
        %add3A_334 = arith.addf %broadcast_in_dim3A_321, %unpack3A_332 : vector<16xf32>
        %get3A_335 = arith.index_cast %add3A_317 : i32 to index
        %get3A_336 = arith.constant 16 : index
        %get3A_337 = tpu.vector_load %arg8[%get3A_335, %get3A_336] {strides = array<i32>} : memref<200x64xi32, #tpu.memory_space<vmem>>, vector<16xi32>,
        %get3A_338 = arith.index_cast %add3A_317 : i32 to index
        %get3A_339 = arith.constant 16 : index
        %get3A_340 = tpu.vector_load %arg9[%get3A_338, %get3A_339] {strides = array<i32>} : memref<200x64xi32, #tpu.memory_space<vmem>>, vector<16xi32>,
        %bitcast3A_341 = vector.bitcast %get3A_337 : vector<16xi32> to vector<32xbf16>
        %bitcast3A_342 = vector.bitcast %get3A_340 : vector<16xi32> to vector<32xbf16>
        %mul3A_343 = arith.mulf %bitcast3A_341, %bitcast3A_342 : vector<32xbf16>
        %unpack3A_344 = tpu.unpack_subelements %mul3A_343, 0 {pack_format = #tpu.pack_format<interleaved>} : vector<32xbf16> -> vector<16xf32>
        %unpack3A_345 = tpu.unpack_subelements %mul3A_343, 1 {pack_format = #tpu.pack_format<interleaved>} : vector<32xbf16> -> vector<16xf32>
        %add3A_346 = arith.addf %add3A_333, %unpack3A_344 : vector<16xf32>
        %add3A_347 = arith.addf %add3A_334, %unpack3A_345 : vector<16xf32>
        %get3A_348 = arith.index_cast %add3A_317 : i32 to index
        %get3A_349 = arith.constant 32 : index
        %get3A_350 = tpu.vector_load %arg8[%get3A_348, %get3A_349] {strides = array<i32>} : memref<200x64xi32, #tpu.memory_space<vmem>>, vector<16xi32>,
        %get3A_351 = arith.index_cast %add3A_317 : i32 to index
        %get3A_352 = arith.constant 32 : index
        %get3A_353 = tpu.vector_load %arg9[%get3A_351, %get3A_352] {strides = array<i32>} : memref<200x64xi32, #tpu.memory_space<vmem>>, vector<16xi32>,
        %bitcast3A_354 = vector.bitcast %get3A_350 : vector<16xi32> to vector<32xbf16>
        %bitcast3A_355 = vector.bitcast %get3A_353 : vector<16xi32> to vector<32xbf16>
        %mul3A_356 = arith.mulf %bitcast3A_354, %bitcast3A_355 : vector<32xbf16>
        %unpack3A_357 = tpu.unpack_subelements %mul3A_356, 0 {pack_format = #tpu.pack_format<interleaved>} : vector<32xbf16> -> vector<16xf32>
        %unpack3A_358 = tpu.unpack_subelements %mul3A_356, 1 {pack_format = #tpu.pack_format<interleaved>} : vector<32xbf16> -> vector<16xf32>
        %add3A_359 = arith.addf %add3A_346, %unpack3A_357 : vector<16xf32>
        %add3A_360 = arith.addf %add3A_347, %unpack3A_358 : vector<16xf32>
        %get3A_361 = arith.index_cast %add3A_317 : i32 to index
        %get3A_362 = arith.constant 48 : index
        %get3A_363 = tpu.vector_load %arg8[%get3A_361, %get3A_362] {strides = array<i32>} : memref<200x64xi32, #tpu.memory_space<vmem>>, vector<16xi32>,
        %get3A_364 = arith.index_cast %add3A_317 : i32 to index
        %get3A_365 = arith.constant 48 : index
        %get3A_366 = tpu.vector_load %arg9[%get3A_364, %get3A_365] {strides = array<i32>} : memref<200x64xi32, #tpu.memory_space<vmem>>, vector<16xi32>,
        %bitcast3A_367 = vector.bitcast %get3A_363 : vector<16xi32> to vector<32xbf16>
        %bitcast3A_368 = vector.bitcast %get3A_366 : vector<16xi32> to vector<32xbf16>
        %mul3A_369 = arith.mulf %bitcast3A_367, %bitcast3A_368 : vector<32xbf16>
        %unpack3A_370 = tpu.unpack_subelements %mul3A_369, 0 {pack_format = #tpu.pack_format<interleaved>} : vector<32xbf16> -> vector<16xf32>
        %unpack3A_371 = tpu.unpack_subelements %mul3A_369, 1 {pack_format = #tpu.pack_format<interleaved>} : vector<32xbf16> -> vector<16xf32>
        %add3A_372 = arith.addf %add3A_359, %unpack3A_370 : vector<16xf32>
        %add3A_373 = arith.addf %add3A_360, %unpack3A_371 : vector<16xf32>
        %add3A_374 = arith.addf %add3A_372, %add3A_373 : vector<16xf32>
        %broadcast_in_dim3A_375 = arith.constant true
        %broadcast_in_dim3A_376 = vector.broadcast %broadcast_in_dim3A_375 : i1 to vector<16xi1>
        %masked_cumsum3A_377 = tpu.scan <sum>, %add3A_374 masked %broadcast_in_dim3A_376 : vector<16xf32>, vector<16xi1> -> vector<16xf32>
        %mul3A_378 = arith.constant 200 : i32
        %mul3A_379 = arith.muli %add3A_38, %mul3A_378 : i32
        %add3A_380 = arith.addi %mul3A_379, %add3A_317 : i32
        %broadcast_in_dim3A_381 = vector.broadcast %add3A_380 : i32 to vector<16xi32>
        %eq3A_382 = arith.constant 15 : i32
        %eq3A_383 = vector.broadcast %eq3A_382 : i32 to vector<16xi32>
        %eq3A_384 = arith.cmpi eq, %iota3A, %eq3A_383 : vector<16xi32>
        tpu.vector_store_idx %arg12[%broadcast_in_dim3A_381], %masked_cumsum3A_377 masked %eq3A_384 : memref<10000xf32, #tpu.memory_space<vmem>>[vector<16xi32>], vector<16xf32>, vector<16xi1>
        %mul3A_385 = arith.constant 8 : i32
        %mul3A_386 = arith.muli %scan3A_106, %mul3A_385 : i32
        %add3A_387 = arith.constant 4 : i32
        %add3A_388 = arith.addi %mul3A_386, %add3A_387 : i32
        %broadcast_in_dim3A_389 = arith.constant 0.000000e+00 : f32
        %broadcast_in_dim3A_390 = vector.broadcast %broadcast_in_dim3A_389 : f32 to vector<16xf32>
        %broadcast_in_dim3A_391 = arith.constant 0.000000e+00 : f32
        %broadcast_in_dim3A_392 = vector.broadcast %broadcast_in_dim3A_391 : f32 to vector<16xf32>
        %get3A_393 = arith.index_cast %add3A_388 : i32 to index
        %get3A_394 = arith.constant 0 : index
        %get3A_395 = tpu.vector_load %arg8[%get3A_393, %get3A_394] {strides = array<i32>} : memref<200x64xi32, #tpu.memory_space<vmem>>, vector<16xi32>,
        %get3A_396 = arith.index_cast %add3A_388 : i32 to index
        %get3A_397 = arith.constant 0 : index
        %get3A_398 = tpu.vector_load %arg9[%get3A_396, %get3A_397] {strides = array<i32>} : memref<200x64xi32, #tpu.memory_space<vmem>>, vector<16xi32>,
        %bitcast3A_399 = vector.bitcast %get3A_395 : vector<16xi32> to vector<32xbf16>
        %bitcast3A_400 = vector.bitcast %get3A_398 : vector<16xi32> to vector<32xbf16>
        %mul3A_401 = arith.mulf %bitcast3A_399, %bitcast3A_400 : vector<32xbf16>
        %unpack3A_402 = tpu.unpack_subelements %mul3A_401, 0 {pack_format = #tpu.pack_format<interleaved>} : vector<32xbf16> -> vector<16xf32>
        %unpack3A_403 = tpu.unpack_subelements %mul3A_401, 1 {pack_format = #tpu.pack_format<interleaved>} : vector<32xbf16> -> vector<16xf32>
        %add3A_404 = arith.addf %broadcast_in_dim3A_390, %unpack3A_402 : vector<16xf32>
        %add3A_405 = arith.addf %broadcast_in_dim3A_392, %unpack3A_403 : vector<16xf32>
        %get3A_406 = arith.index_cast %add3A_388 : i32 to index
        %get3A_407 = arith.constant 16 : index
        %get3A_408 = tpu.vector_load %arg8[%get3A_406, %get3A_407] {strides = array<i32>} : memref<200x64xi32, #tpu.memory_space<vmem>>, vector<16xi32>,
        %get3A_409 = arith.index_cast %add3A_388 : i32 to index
        %get3A_410 = arith.constant 16 : index
        %get3A_411 = tpu.vector_load %arg9[%get3A_409, %get3A_410] {strides = array<i32>} : memref<200x64xi32, #tpu.memory_space<vmem>>, vector<16xi32>,
        %bitcast3A_412 = vector.bitcast %get3A_408 : vector<16xi32> to vector<32xbf16>
        %bitcast3A_413 = vector.bitcast %get3A_411 : vector<16xi32> to vector<32xbf16>
        %mul3A_414 = arith.mulf %bitcast3A_412, %bitcast3A_413 : vector<32xbf16>
        %unpack3A_415 = tpu.unpack_subelements %mul3A_414, 0 {pack_format = #tpu.pack_format<interleaved>} : vector<32xbf16> -> vector<16xf32>
        %unpack3A_416 = tpu.unpack_subelements %mul3A_414, 1 {pack_format = #tpu.pack_format<interleaved>} : vector<32xbf16> -> vector<16xf32>
        %add3A_417 = arith.addf %add3A_404, %unpack3A_415 : vector<16xf32>
        %add3A_418 = arith.addf %add3A_405, %unpack3A_416 : vector<16xf32>
        %get3A_419 = arith.index_cast %add3A_388 : i32 to index
        %get3A_420 = arith.constant 32 : index
        %get3A_421 = tpu.vector_load %arg8[%get3A_419, %get3A_420] {strides = array<i32>} : memref<200x64xi32, #tpu.memory_space<vmem>>, vector<16xi32>,
        %get3A_422 = arith.index_cast %add3A_388 : i32 to index
        %get3A_423 = arith.constant 32 : index
        %get3A_424 = tpu.vector_load %arg9[%get3A_422, %get3A_423] {strides = array<i32>} : memref<200x64xi32, #tpu.memory_space<vmem>>, vector<16xi32>,
        %bitcast3A_425 = vector.bitcast %get3A_421 : vector<16xi32> to vector<32xbf16>
        %bitcast3A_426 = vector.bitcast %get3A_424 : vector<16xi32> to vector<32xbf16>
        %mul3A_427 = arith.mulf %bitcast3A_425, %bitcast3A_426 : vector<32xbf16>
        %unpack3A_428 = tpu.unpack_subelements %mul3A_427, 0 {pack_format = #tpu.pack_format<interleaved>} : vector<32xbf16> -> vector<16xf32>
        %unpack3A_429 = tpu.unpack_subelements %mul3A_427, 1 {pack_format = #tpu.pack_format<interleaved>} : vector<32xbf16> -> vector<16xf32>
        %add3A_430 = arith.addf %add3A_417, %unpack3A_428 : vector<16xf32>
        %add3A_431 = arith.addf %add3A_418, %unpack3A_429 : vector<16xf32>
        %get3A_432 = arith.index_cast %add3A_388 : i32 to index
        %get3A_433 = arith.constant 48 : index
        %get3A_434 = tpu.vector_load %arg8[%get3A_432, %get3A_433] {strides = array<i32>} : memref<200x64xi32, #tpu.memory_space<vmem>>, vector<16xi32>,
        %get3A_435 = arith.index_cast %add3A_388 : i32 to index
        %get3A_436 = arith.constant 48 : index
        %get3A_437 = tpu.vector_load %arg9[%get3A_435, %get3A_436] {strides = array<i32>} : memref<200x64xi32, #tpu.memory_space<vmem>>, vector<16xi32>,
        %bitcast3A_438 = vector.bitcast %get3A_434 : vector<16xi32> to vector<32xbf16>
        %bitcast3A_439 = vector.bitcast %get3A_437 : vector<16xi32> to vector<32xbf16>
        %mul3A_440 = arith.mulf %bitcast3A_438, %bitcast3A_439 : vector<32xbf16>
        %unpack3A_441 = tpu.unpack_subelements %mul3A_440, 0 {pack_format = #tpu.pack_format<interleaved>} : vector<32xbf16> -> vector<16xf32>
        %unpack3A_442 = tpu.unpack_subelements %mul3A_440, 1 {pack_format = #tpu.pack_format<interleaved>} : vector<32xbf16> -> vector<16xf32>
        %add3A_443 = arith.addf %add3A_430, %unpack3A_441 : vector<16xf32>
        %add3A_444 = arith.addf %add3A_431, %unpack3A_442 : vector<16xf32>
        %add3A_445 = arith.addf %add3A_443, %add3A_444 : vector<16xf32>
        %broadcast_in_dim3A_446 = arith.constant true
        %broadcast_in_dim3A_447 = vector.broadcast %broadcast_in_dim3A_446 : i1 to vector<16xi1>
        %masked_cumsum3A_448 = tpu.scan <sum>, %add3A_445 masked %broadcast_in_dim3A_447 : vector<16xf32>, vector<16xi1> -> vector<16xf32>
        %mul3A_449 = arith.constant 200 : i32
        %mul3A_450 = arith.muli %add3A_38, %mul3A_449 : i32
        %add3A_451 = arith.addi %mul3A_450, %add3A_388 : i32
        %broadcast_in_dim3A_452 = vector.broadcast %add3A_451 : i32 to vector<16xi32>
        %eq3A_453 = arith.constant 15 : i32
        %eq3A_454 = vector.broadcast %eq3A_453 : i32 to vector<16xi32>
        %eq3A_455 = arith.cmpi eq, %iota3A, %eq3A_454 : vector<16xi32>
        tpu.vector_store_idx %arg12[%broadcast_in_dim3A_452], %masked_cumsum3A_448 masked %eq3A_455 : memref<10000xf32, #tpu.memory_space<vmem>>[vector<16xi32>], vector<16xf32>, vector<16xi1>
        %mul3A_456 = arith.constant 8 : i32
        %mul3A_457 = arith.muli %scan3A_106, %mul3A_456 : i32
        %add3A_458 = arith.constant 5 : i32
        %add3A_459 = arith.addi %mul3A_457, %add3A_458 : i32
        %broadcast_in_dim3A_460 = arith.constant 0.000000e+00 : f32
        %broadcast_in_dim3A_461 = vector.broadcast %broadcast_in_dim3A_460 : f32 to vector<16xf32>
        %broadcast_in_dim3A_462 = arith.constant 0.000000e+00 : f32
        %broadcast_in_dim3A_463 = vector.broadcast %broadcast_in_dim3A_462 : f32 to vector<16xf32>
        %get3A_464 = arith.index_cast %add3A_459 : i32 to index
        %get3A_465 = arith.constant 0 : index
        %get3A_466 = tpu.vector_load %arg8[%get3A_464, %get3A_465] {strides = array<i32>} : memref<200x64xi32, #tpu.memory_space<vmem>>, vector<16xi32>,
        %get3A_467 = arith.index_cast %add3A_459 : i32 to index
        %get3A_468 = arith.constant 0 : index
        %get3A_469 = tpu.vector_load %arg9[%get3A_467, %get3A_468] {strides = array<i32>} : memref<200x64xi32, #tpu.memory_space<vmem>>, vector<16xi32>,
        %bitcast3A_470 = vector.bitcast %get3A_466 : vector<16xi32> to vector<32xbf16>
        %bitcast3A_471 = vector.bitcast %get3A_469 : vector<16xi32> to vector<32xbf16>
        %mul3A_472 = arith.mulf %bitcast3A_470, %bitcast3A_471 : vector<32xbf16>
        %unpack3A_473 = tpu.unpack_subelements %mul3A_472, 0 {pack_format = #tpu.pack_format<interleaved>} : vector<32xbf16> -> vector<16xf32>
        %unpack3A_474 = tpu.unpack_subelements %mul3A_472, 1 {pack_format = #tpu.pack_format<interleaved>} : vector<32xbf16> -> vector<16xf32>
        %add3A_475 = arith.addf %broadcast_in_dim3A_461, %unpack3A_473 : vector<16xf32>
        %add3A_476 = arith.addf %broadcast_in_dim3A_463, %unpack3A_474 : vector<16xf32>
        %get3A_477 = arith.index_cast %add3A_459 : i32 to index
        %get3A_478 = arith.constant 16 : index
        %get3A_479 = tpu.vector_load %arg8[%get3A_477, %get3A_478] {strides = array<i32>} : memref<200x64xi32, #tpu.memory_space<vmem>>, vector<16xi32>,
        %get3A_480 = arith.index_cast %add3A_459 : i32 to index
        %get3A_481 = arith.constant 16 : index
        %get3A_482 = tpu.vector_load %arg9[%get3A_480, %get3A_481] {strides = array<i32>} : memref<200x64xi32, #tpu.memory_space<vmem>>, vector<16xi32>,
        %bitcast3A_483 = vector.bitcast %get3A_479 : vector<16xi32> to vector<32xbf16>
        %bitcast3A_484 = vector.bitcast %get3A_482 : vector<16xi32> to vector<32xbf16>
        %mul3A_485 = arith.mulf %bitcast3A_483, %bitcast3A_484 : vector<32xbf16>
        %unpack3A_486 = tpu.unpack_subelements %mul3A_485, 0 {pack_format = #tpu.pack_format<interleaved>} : vector<32xbf16> -> vector<16xf32>
        %unpack3A_487 = tpu.unpack_subelements %mul3A_485, 1 {pack_format = #tpu.pack_format<interleaved>} : vector<32xbf16> -> vector<16xf32>
        %add3A_488 = arith.addf %add3A_475, %unpack3A_486 : vector<16xf32>
        %add3A_489 = arith.addf %add3A_476, %unpack3A_487 : vector<16xf32>
        %get3A_490 = arith.index_cast %add3A_459 : i32 to index
        %get3A_491 = arith.constant 32 : index
        %get3A_492 = tpu.vector_load %arg8[%get3A_490, %get3A_491] {strides = array<i32>} : memref<200x64xi32, #tpu.memory_space<vmem>>, vector<16xi32>,
        %get3A_493 = arith.index_cast %add3A_459 : i32 to index
        %get3A_494 = arith.constant 32 : index
        %get3A_495 = tpu.vector_load %arg9[%get3A_493, %get3A_494] {strides = array<i32>} : memref<200x64xi32, #tpu.memory_space<vmem>>, vector<16xi32>,
        %bitcast3A_496 = vector.bitcast %get3A_492 : vector<16xi32> to vector<32xbf16>
        %bitcast3A_497 = vector.bitcast %get3A_495 : vector<16xi32> to vector<32xbf16>
        %mul3A_498 = arith.mulf %bitcast3A_496, %bitcast3A_497 : vector<32xbf16>
        %unpack3A_499 = tpu.unpack_subelements %mul3A_498, 0 {pack_format = #tpu.pack_format<interleaved>} : vector<32xbf16> -> vector<16xf32>
        %unpack3A_500 = tpu.unpack_subelements %mul3A_498, 1 {pack_format = #tpu.pack_format<interleaved>} : vector<32xbf16> -> vector<16xf32>
        %add3A_501 = arith.addf %add3A_488, %unpack3A_499 : vector<16xf32>
        %add3A_502 = arith.addf %add3A_489, %unpack3A_500 : vector<16xf32>
        %get3A_503 = arith.index_cast %add3A_459 : i32 to index
        %get3A_504 = arith.constant 48 : index
        %get3A_505 = tpu.vector_load %arg8[%get3A_503, %get3A_504] {strides = array<i32>} : memref<200x64xi32, #tpu.memory_space<vmem>>, vector<16xi32>,
        %get3A_506 = arith.index_cast %add3A_459 : i32 to index
        %get3A_507 = arith.constant 48 : index
        %get3A_508 = tpu.vector_load %arg9[%get3A_506, %get3A_507] {strides = array<i32>} : memref<200x64xi32, #tpu.memory_space<vmem>>, vector<16xi32>,
        %bitcast3A_509 = vector.bitcast %get3A_505 : vector<16xi32> to vector<32xbf16>
        %bitcast3A_510 = vector.bitcast %get3A_508 : vector<16xi32> to vector<32xbf16>
        %mul3A_511 = arith.mulf %bitcast3A_509, %bitcast3A_510 : vector<32xbf16>
        %unpack3A_512 = tpu.unpack_subelements %mul3A_511, 0 {pack_format = #tpu.pack_format<interleaved>} : vector<32xbf16> -> vector<16xf32>
        %unpack3A_513 = tpu.unpack_subelements %mul3A_511, 1 {pack_format = #tpu.pack_format<interleaved>} : vector<32xbf16> -> vector<16xf32>
        %add3A_514 = arith.addf %add3A_501, %unpack3A_512 : vector<16xf32>
        %add3A_515 = arith.addf %add3A_502, %unpack3A_513 : vector<16xf32>
        %add3A_516 = arith.addf %add3A_514, %add3A_515 : vector<16xf32>
        %broadcast_in_dim3A_517 = arith.constant true
        %broadcast_in_dim3A_518 = vector.broadcast %broadcast_in_dim3A_517 : i1 to vector<16xi1>
        %masked_cumsum3A_519 = tpu.scan <sum>, %add3A_516 masked %broadcast_in_dim3A_518 : vector<16xf32>, vector<16xi1> -> vector<16xf32>
        %mul3A_520 = arith.constant 200 : i32
        %mul3A_521 = arith.muli %add3A_38, %mul3A_520 : i32
        %add3A_522 = arith.addi %mul3A_521, %add3A_459 : i32
        %broadcast_in_dim3A_523 = vector.broadcast %add3A_522 : i32 to vector<16xi32>
        %eq3A_524 = arith.constant 15 : i32
        %eq3A_525 = vector.broadcast %eq3A_524 : i32 to vector<16xi32>
        %eq3A_526 = arith.cmpi eq, %iota3A, %eq3A_525 : vector<16xi32>
        tpu.vector_store_idx %arg12[%broadcast_in_dim3A_523], %masked_cumsum3A_519 masked %eq3A_526 : memref<10000xf32, #tpu.memory_space<vmem>>[vector<16xi32>], vector<16xf32>, vector<16xi1>
        %mul3A_527 = arith.constant 8 : i32
        %mul3A_528 = arith.muli %scan3A_106, %mul3A_527 : i32
        %add3A_529 = arith.constant 6 : i32
        %add3A_530 = arith.addi %mul3A_528, %add3A_529 : i32
        %broadcast_in_dim3A_531 = arith.constant 0.000000e+00 : f32
        %broadcast_in_dim3A_532 = vector.broadcast %broadcast_in_dim3A_531 : f32 to vector<16xf32>
        %broadcast_in_dim3A_533 = arith.constant 0.000000e+00 : f32
        %broadcast_in_dim3A_534 = vector.broadcast %broadcast_in_dim3A_533 : f32 to vector<16xf32>
        %get3A_535 = arith.index_cast %add3A_530 : i32 to index
        %get3A_536 = arith.constant 0 : index
        %get3A_537 = tpu.vector_load %arg8[%get3A_535, %get3A_536] {strides = array<i32>} : memref<200x64xi32, #tpu.memory_space<vmem>>, vector<16xi32>,
        %get3A_538 = arith.index_cast %add3A_530 : i32 to index
        %get3A_539 = arith.constant 0 : index
        %get3A_540 = tpu.vector_load %arg9[%get3A_538, %get3A_539] {strides = array<i32>} : memref<200x64xi32, #tpu.memory_space<vmem>>, vector<16xi32>,
        %bitcast3A_541 = vector.bitcast %get3A_537 : vector<16xi32> to vector<32xbf16>
        %bitcast3A_542 = vector.bitcast %get3A_540 : vector<16xi32> to vector<32xbf16>
        %mul3A_543 = arith.mulf %bitcast3A_541, %bitcast3A_542 : vector<32xbf16>
        %unpack3A_544 = tpu.unpack_subelements %mul3A_543, 0 {pack_format = #tpu.pack_format<interleaved>} : vector<32xbf16> -> vector<16xf32>
        %unpack3A_545 = tpu.unpack_subelements %mul3A_543, 1 {pack_format = #tpu.pack_format<interleaved>} : vector<32xbf16> -> vector<16xf32>
        %add3A_546 = arith.addf %broadcast_in_dim3A_532, %unpack3A_544 : vector<16xf32>
        %add3A_547 = arith.addf %broadcast_in_dim3A_534, %unpack3A_545 : vector<16xf32>
        %get3A_548 = arith.index_cast %add3A_530 : i32 to index
        %get3A_549 = arith.constant 16 : index
        %get3A_550 = tpu.vector_load %arg8[%get3A_548, %get3A_549] {strides = array<i32>} : memref<200x64xi32, #tpu.memory_space<vmem>>, vector<16xi32>,
        %get3A_551 = arith.index_cast %add3A_530 : i32 to index
        %get3A_552 = arith.constant 16 : index
        %get3A_553 = tpu.vector_load %arg9[%get3A_551, %get3A_552] {strides = array<i32>} : memref<200x64xi32, #tpu.memory_space<vmem>>, vector<16xi32>,
        %bitcast3A_554 = vector.bitcast %get3A_550 : vector<16xi32> to vector<32xbf16>
        %bitcast3A_555 = vector.bitcast %get3A_553 : vector<16xi32> to vector<32xbf16>
        %mul3A_556 = arith.mulf %bitcast3A_554, %bitcast3A_555 : vector<32xbf16>
        %unpack3A_557 = tpu.unpack_subelements %mul3A_556, 0 {pack_format = #tpu.pack_format<interleaved>} : vector<32xbf16> -> vector<16xf32>
        %unpack3A_558 = tpu.unpack_subelements %mul3A_556, 1 {pack_format = #tpu.pack_format<interleaved>} : vector<32xbf16> -> vector<16xf32>
        %add3A_559 = arith.addf %add3A_546, %unpack3A_557 : vector<16xf32>
        %add3A_560 = arith.addf %add3A_547, %unpack3A_558 : vector<16xf32>
        %get3A_561 = arith.index_cast %add3A_530 : i32 to index
        %get3A_562 = arith.constant 32 : index
        %get3A_563 = tpu.vector_load %arg8[%get3A_561, %get3A_562] {strides = array<i32>} : memref<200x64xi32, #tpu.memory_space<vmem>>, vector<16xi32>,
        %get3A_564 = arith.index_cast %add3A_530 : i32 to index
        %get3A_565 = arith.constant 32 : index
        %get3A_566 = tpu.vector_load %arg9[%get3A_564, %get3A_565] {strides = array<i32>} : memref<200x64xi32, #tpu.memory_space<vmem>>, vector<16xi32>,
        %bitcast3A_567 = vector.bitcast %get3A_563 : vector<16xi32> to vector<32xbf16>
        %bitcast3A_568 = vector.bitcast %get3A_566 : vector<16xi32> to vector<32xbf16>
        %mul3A_569 = arith.mulf %bitcast3A_567, %bitcast3A_568 : vector<32xbf16>
        %unpack3A_570 = tpu.unpack_subelements %mul3A_569, 0 {pack_format = #tpu.pack_format<interleaved>} : vector<32xbf16> -> vector<16xf32>
        %unpack3A_571 = tpu.unpack_subelements %mul3A_569, 1 {pack_format = #tpu.pack_format<interleaved>} : vector<32xbf16> -> vector<16xf32>
        %add3A_572 = arith.addf %add3A_559, %unpack3A_570 : vector<16xf32>
        %add3A_573 = arith.addf %add3A_560, %unpack3A_571 : vector<16xf32>
        %get3A_574 = arith.index_cast %add3A_530 : i32 to index
        %get3A_575 = arith.constant 48 : index
        %get3A_576 = tpu.vector_load %arg8[%get3A_574, %get3A_575] {strides = array<i32>} : memref<200x64xi32, #tpu.memory_space<vmem>>, vector<16xi32>,
        %get3A_577 = arith.index_cast %add3A_530 : i32 to index
        %get3A_578 = arith.constant 48 : index
        %get3A_579 = tpu.vector_load %arg9[%get3A_577, %get3A_578] {strides = array<i32>} : memref<200x64xi32, #tpu.memory_space<vmem>>, vector<16xi32>,
        %bitcast3A_580 = vector.bitcast %get3A_576 : vector<16xi32> to vector<32xbf16>
        %bitcast3A_581 = vector.bitcast %get3A_579 : vector<16xi32> to vector<32xbf16>
        %mul3A_582 = arith.mulf %bitcast3A_580, %bitcast3A_581 : vector<32xbf16>
        %unpack3A_583 = tpu.unpack_subelements %mul3A_582, 0 {pack_format = #tpu.pack_format<interleaved>} : vector<32xbf16> -> vector<16xf32>
        %unpack3A_584 = tpu.unpack_subelements %mul3A_582, 1 {pack_format = #tpu.pack_format<interleaved>} : vector<32xbf16> -> vector<16xf32>
        %add3A_585 = arith.addf %add3A_572, %unpack3A_583 : vector<16xf32>
        %add3A_586 = arith.addf %add3A_573, %unpack3A_584 : vector<16xf32>
        %add3A_587 = arith.addf %add3A_585, %add3A_586 : vector<16xf32>
        %broadcast_in_dim3A_588 = arith.constant true
        %broadcast_in_dim3A_589 = vector.broadcast %broadcast_in_dim3A_588 : i1 to vector<16xi1>
        %masked_cumsum3A_590 = tpu.scan <sum>, %add3A_587 masked %broadcast_in_dim3A_589 : vector<16xf32>, vector<16xi1> -> vector<16xf32>
        %mul3A_591 = arith.constant 200 : i32
        %mul3A_592 = arith.muli %add3A_38, %mul3A_591 : i32
        %add3A_593 = arith.addi %mul3A_592, %add3A_530 : i32
        %broadcast_in_dim3A_594 = vector.broadcast %add3A_593 : i32 to vector<16xi32>
        %eq3A_595 = arith.constant 15 : i32
        %eq3A_596 = vector.broadcast %eq3A_595 : i32 to vector<16xi32>
        %eq3A_597 = arith.cmpi eq, %iota3A, %eq3A_596 : vector<16xi32>
        tpu.vector_store_idx %arg12[%broadcast_in_dim3A_594], %masked_cumsum3A_590 masked %eq3A_597 : memref<10000xf32, #tpu.memory_space<vmem>>[vector<16xi32>], vector<16xf32>, vector<16xi1>
        %mul3A_598 = arith.constant 8 : i32
        %mul3A_599 = arith.muli %scan3A_106, %mul3A_598 : i32
        %add3A_600 = arith.constant 7 : i32
        %add3A_601 = arith.addi %mul3A_599, %add3A_600 : i32
        %broadcast_in_dim3A_602 = arith.constant 0.000000e+00 : f32
        %broadcast_in_dim3A_603 = vector.broadcast %broadcast_in_dim3A_602 : f32 to vector<16xf32>
        %broadcast_in_dim3A_604 = arith.constant 0.000000e+00 : f32
        %broadcast_in_dim3A_605 = vector.broadcast %broadcast_in_dim3A_604 : f32 to vector<16xf32>
        %get3A_606 = arith.index_cast %add3A_601 : i32 to index
        %get3A_607 = arith.constant 0 : index
        %get3A_608 = tpu.vector_load %arg8[%get3A_606, %get3A_607] {strides = array<i32>} : memref<200x64xi32, #tpu.memory_space<vmem>>, vector<16xi32>,
        %get3A_609 = arith.index_cast %add3A_601 : i32 to index
        %get3A_610 = arith.constant 0 : index
        %get3A_611 = tpu.vector_load %arg9[%get3A_609, %get3A_610] {strides = array<i32>} : memref<200x64xi32, #tpu.memory_space<vmem>>, vector<16xi32>,
        %bitcast3A_612 = vector.bitcast %get3A_608 : vector<16xi32> to vector<32xbf16>
        %bitcast3A_613 = vector.bitcast %get3A_611 : vector<16xi32> to vector<32xbf16>
        %mul3A_614 = arith.mulf %bitcast3A_612, %bitcast3A_613 : vector<32xbf16>
        %unpack3A_615 = tpu.unpack_subelements %mul3A_614, 0 {pack_format = #tpu.pack_format<interleaved>} : vector<32xbf16> -> vector<16xf32>
        %unpack3A_616 = tpu.unpack_subelements %mul3A_614, 1 {pack_format = #tpu.pack_format<interleaved>} : vector<32xbf16> -> vector<16xf32>
        %add3A_617 = arith.addf %broadcast_in_dim3A_603, %unpack3A_615 : vector<16xf32>
        %add3A_618 = arith.addf %broadcast_in_dim3A_605, %unpack3A_616 : vector<16xf32>
        %get3A_619 = arith.index_cast %add3A_601 : i32 to index
        %get3A_620 = arith.constant 16 : index
        %get3A_621 = tpu.vector_load %arg8[%get3A_619, %get3A_620] {strides = array<i32>} : memref<200x64xi32, #tpu.memory_space<vmem>>, vector<16xi32>,
        %get3A_622 = arith.index_cast %add3A_601 : i32 to index
        %get3A_623 = arith.constant 16 : index
        %get3A_624 = tpu.vector_load %arg9[%get3A_622, %get3A_623] {strides = array<i32>} : memref<200x64xi32, #tpu.memory_space<vmem>>, vector<16xi32>,
        %bitcast3A_625 = vector.bitcast %get3A_621 : vector<16xi32> to vector<32xbf16>
        %bitcast3A_626 = vector.bitcast %get3A_624 : vector<16xi32> to vector<32xbf16>
        %mul3A_627 = arith.mulf %bitcast3A_625, %bitcast3A_626 : vector<32xbf16>
        %unpack3A_628 = tpu.unpack_subelements %mul3A_627, 0 {pack_format = #tpu.pack_format<interleaved>} : vector<32xbf16> -> vector<16xf32>
        %unpack3A_629 = tpu.unpack_subelements %mul3A_627, 1 {pack_format = #tpu.pack_format<interleaved>} : vector<32xbf16> -> vector<16xf32>
        %add3A_630 = arith.addf %add3A_617, %unpack3A_628 : vector<16xf32>
        %add3A_631 = arith.addf %add3A_618, %unpack3A_629 : vector<16xf32>
        %get3A_632 = arith.index_cast %add3A_601 : i32 to index
        %get3A_633 = arith.constant 32 : index
        %get3A_634 = tpu.vector_load %arg8[%get3A_632, %get3A_633] {strides = array<i32>} : memref<200x64xi32, #tpu.memory_space<vmem>>, vector<16xi32>,
        %get3A_635 = arith.index_cast %add3A_601 : i32 to index
        %get3A_636 = arith.constant 32 : index
        %get3A_637 = tpu.vector_load %arg9[%get3A_635, %get3A_636] {strides = array<i32>} : memref<200x64xi32, #tpu.memory_space<vmem>>, vector<16xi32>,
        %bitcast3A_638 = vector.bitcast %get3A_634 : vector<16xi32> to vector<32xbf16>
        %bitcast3A_639 = vector.bitcast %get3A_637 : vector<16xi32> to vector<32xbf16>
        %mul3A_640 = arith.mulf %bitcast3A_638, %bitcast3A_639 : vector<32xbf16>
        %unpack3A_641 = tpu.unpack_subelements %mul3A_640, 0 {pack_format = #tpu.pack_format<interleaved>} : vector<32xbf16> -> vector<16xf32>
        %unpack3A_642 = tpu.unpack_subelements %mul3A_640, 1 {pack_format = #tpu.pack_format<interleaved>} : vector<32xbf16> -> vector<16xf32>
        %add3A_643 = arith.addf %add3A_630, %unpack3A_641 : vector<16xf32>
        %add3A_644 = arith.addf %add3A_631, %unpack3A_642 : vector<16xf32>
        %get3A_645 = arith.index_cast %add3A_601 : i32 to index
        %get3A_646 = arith.constant 48 : index
        %get3A_647 = tpu.vector_load %arg8[%get3A_645, %get3A_646] {strides = array<i32>} : memref<200x64xi32, #tpu.memory_space<vmem>>, vector<16xi32>,
        %get3A_648 = arith.index_cast %add3A_601 : i32 to index
        %get3A_649 = arith.constant 48 : index
        %get3A_650 = tpu.vector_load %arg9[%get3A_648, %get3A_649] {strides = array<i32>} : memref<200x64xi32, #tpu.memory_space<vmem>>, vector<16xi32>,
        %bitcast3A_651 = vector.bitcast %get3A_647 : vector<16xi32> to vector<32xbf16>
        %bitcast3A_652 = vector.bitcast %get3A_650 : vector<16xi32> to vector<32xbf16>
        %mul3A_653 = arith.mulf %bitcast3A_651, %bitcast3A_652 : vector<32xbf16>
        %unpack3A_654 = tpu.unpack_subelements %mul3A_653, 0 {pack_format = #tpu.pack_format<interleaved>} : vector<32xbf16> -> vector<16xf32>
        %unpack3A_655 = tpu.unpack_subelements %mul3A_653, 1 {pack_format = #tpu.pack_format<interleaved>} : vector<32xbf16> -> vector<16xf32>
        %add3A_656 = arith.addf %add3A_643, %unpack3A_654 : vector<16xf32>
        %add3A_657 = arith.addf %add3A_644, %unpack3A_655 : vector<16xf32>
        %add3A_658 = arith.addf %add3A_656, %add3A_657 : vector<16xf32>
        %broadcast_in_dim3A_659 = arith.constant true
        %broadcast_in_dim3A_660 = vector.broadcast %broadcast_in_dim3A_659 : i1 to vector<16xi1>
        %masked_cumsum3A_661 = tpu.scan <sum>, %add3A_658 masked %broadcast_in_dim3A_660 : vector<16xf32>, vector<16xi1> -> vector<16xf32>
        %mul3A_662 = arith.constant 200 : i32
        %mul3A_663 = arith.muli %add3A_38, %mul3A_662 : i32
        %add3A_664 = arith.addi %mul3A_663, %add3A_601 : i32
        %broadcast_in_dim3A_665 = vector.broadcast %add3A_664 : i32 to vector<16xi32>
        %eq3A_666 = arith.constant 15 : i32
        %eq3A_667 = vector.broadcast %eq3A_666 : i32 to vector<16xi32>
        %eq3A_668 = arith.cmpi eq, %iota3A, %eq3A_667 : vector<16xi32>
        tpu.vector_store_idx %arg12[%broadcast_in_dim3A_665], %masked_cumsum3A_661 masked %eq3A_668 : memref<10000xf32, #tpu.memory_space<vmem>>[vector<16xi32>], vector<16xf32>, vector<16xi1>
      }
      %scan3A_69 = arith.constant 25 : i32
      %mul3A_70 = arith.constant 2 : i32
      %mul3A_71 = arith.muli %mul3A_70, %scan3A_34 : i32
      %add3A_72 = arith.constant 1 : i32
      %add3A_73 = arith.addi %mul3A_71, %add3A_72 : i32
      %add3A_74 = arith.constant 1 : i32
      %add3A_75 = arith.addi %add3A_73, %add3A_74 : i32
      %min3A_76 = arith.constant 49 : i32
      %min3A_77 = arith.minsi %add3A_75, %min3A_76 : i32
      %mul3A_78 = arith.constant 200 : i32
      %mul3A_79 = arith.muli %min3A_77, %mul3A_78 : i32
      %mul3A_80 = arith.constant 200 : i32
      %mul3A_81 = arith.muli %min3A_77, %mul3A_80 : i32
      %dma_start3A_82 = tpu.memref_slice %arg6[%mul3A_79] : memref<10000xi32, #tpu.memory_space<vmem>> -> memref<200xi32, #tpu.memory_space<vmem>>
      %dma_start3A_83 = arith.constant 0 : i32
      %dma_start3A_84 = arith.constant 0 : i32
      %dma_start3A_85 = tpu.memref_slice %arg2[%dma_start3A_83, %dma_start3A_84] : memref<10000x64xi32, #tpu.memory_space<hbm>> -> memref<10000x64xi32, #tpu.memory_space<hbm>>
      tpu.enqueue_indirect_dma source(%dma_start3A_85 : memref<10000x64xi32, #tpu.memory_space<hbm>>) target(%arg8 : memref<200x64xi32, #tpu.memory_space<vmem>>) offsets(%dma_start3A_82 : memref<200xi32, #tpu.memory_space<vmem>>) semaphore(%arg14 : memref<!tpu.dma_semaphore, #tpu.memory_space<semaphore_mem>>)
      %dma_start3A_86 = tpu.memref_slice %arg7[%mul3A_81] : memref<10000xi32, #tpu.memory_space<vmem>> -> memref<200xi32, #tpu.memory_space<vmem>>
      %dma_start3A_87 = arith.constant 0 : i32
      %dma_start3A_88 = arith.constant 0 : i32
      %dma_start3A_89 = tpu.memref_slice %arg2[%dma_start3A_87, %dma_start3A_88] : memref<10000x64xi32, #tpu.memory_space<hbm>> -> memref<10000x64xi32, #tpu.memory_space<hbm>>
      tpu.enqueue_indirect_dma source(%dma_start3A_89 : memref<10000x64xi32, #tpu.memory_space<hbm>>) target(%arg9 : memref<200x64xi32, #tpu.memory_space<vmem>>) offsets(%dma_start3A_86 : memref<200xi32, #tpu.memory_space<vmem>>) semaphore(%arg15 : memref<!tpu.dma_semaphore, #tpu.memory_space<semaphore_mem>>)
      %dma_wait3A_90 = arith.constant 0 : i32
      %dma_wait3A_91 = tpu.memref_slice %arg6[%dma_wait3A_90] : memref<10000xi32, #tpu.memory_space<vmem>> -> memref<200xi32, #tpu.memory_space<vmem>>
      %dma_wait3A_92 = arith.constant 0 : i32
      %dma_wait3A_93 = arith.constant 0 : i32
      %dma_wait3A_94 = tpu.memref_slice %arg2[%dma_wait3A_92, %dma_wait3A_93] : memref<10000x64xi32, #tpu.memory_space<hbm>> -> memref<10000x64xi32, #tpu.memory_space<hbm>>
      tpu.wait_indirect_dma semaphore(%arg16 : memref<!tpu.dma_semaphore, #tpu.memory_space<semaphore_mem>>) src(%dma_wait3A_94 : memref<10000x64xi32, #tpu.memory_space<hbm>>) dst(%arg10 : memref<200x64xi32, #tpu.memory_space<vmem>>)
      %dma_wait3A_95 = arith.constant 0 : i32
      %dma_wait3A_96 = tpu.memref_slice %arg7[%dma_wait3A_95] : memref<10000xi32, #tpu.memory_space<vmem>> -> memref<200xi32, #tpu.memory_space<vmem>>
      %dma_wait3A_97 = arith.constant 0 : i32
      %dma_wait3A_98 = arith.constant 0 : i32
      %dma_wait3A_99 = tpu.memref_slice %arg2[%dma_wait3A_97, %dma_wait3A_98] : memref<10000x64xi32, #tpu.memory_space<hbm>> -> memref<10000x64xi32, #tpu.memory_space<hbm>>
      tpu.wait_indirect_dma semaphore(%arg17 : memref<!tpu.dma_semaphore, #tpu.memory_space<semaphore_mem>>) src(%dma_wait3A_99 : memref<10000x64xi32, #tpu.memory_space<hbm>>) dst(%arg11 : memref<200x64xi32, #tpu.memory_space<vmem>>)
      %scan3A_100 = arith.constant 0 : i32
      %scan3A_101 = arith.constant 0 : i32
      %scan3A_102 = arith.constant 25 : i32
      %scan3A_103 = arith.addi %scan3A_101, %scan3A_102 : i32
      %scan3A_104 = arith.constant 1 : i32
      scf.for %scan3A_106 = %scan3A_101 to %scan3A_103 step %scan3A_104  : i32 {
        %mul3A_107 = arith.constant 8 : i32
        %mul3A_108 = arith.muli %scan3A_106, %mul3A_107 : i32
        %add3A_109 = arith.constant 0 : i32
        %add3A_110 = arith.addi %mul3A_108, %add3A_109 : i32
        %broadcast_in_dim3A = arith.constant 0.000000e+00 : f32
        %broadcast_in_dim3A_111 = vector.broadcast %broadcast_in_dim3A : f32 to vector<16xf32>
        %broadcast_in_dim3A_112 = arith.constant 0.000000e+00 : f32
        %broadcast_in_dim3A_113 = vector.broadcast %broadcast_in_dim3A_112 : f32 to vector<16xf32>
        %get3A = arith.index_cast %add3A_110 : i32 to index
        %get3A_114 = arith.constant 0 : index
        %get3A_115 = tpu.vector_load %arg10[%get3A, %get3A_114] {strides = array<i32>} : memref<200x64xi32, #tpu.memory_space<vmem>>, vector<16xi32>,
        %get3A_116 = arith.index_cast %add3A_110 : i32 to index
        %get3A_117 = arith.constant 0 : index
        %get3A_118 = tpu.vector_load %arg11[%get3A_116, %get3A_117] {strides = array<i32>} : memref<200x64xi32, #tpu.memory_space<vmem>>, vector<16xi32>,
        %bitcast3A = vector.bitcast %get3A_115 : vector<16xi32> to vector<32xbf16>
        %bitcast3A_119 = vector.bitcast %get3A_118 : vector<16xi32> to vector<32xbf16>
        %mul3A_120 = arith.mulf %bitcast3A, %bitcast3A_119 : vector<32xbf16>
        %unpack3A = tpu.unpack_subelements %mul3A_120, 0 {pack_format = #tpu.pack_format<interleaved>} : vector<32xbf16> -> vector<16xf32>
        %unpack3A_121 = tpu.unpack_subelements %mul3A_120, 1 {pack_format = #tpu.pack_format<interleaved>} : vector<32xbf16> -> vector<16xf32>
        %add3A_122 = arith.addf %broadcast_in_dim3A_111, %unpack3A : vector<16xf32>
        %add3A_123 = arith.addf %broadcast_in_dim3A_113, %unpack3A_121 : vector<16xf32>
        %get3A_124 = arith.index_cast %add3A_110 : i32 to index
        %get3A_125 = arith.constant 16 : index
        %get3A_126 = tpu.vector_load %arg10[%get3A_124, %get3A_125] {strides = array<i32>} : memref<200x64xi32, #tpu.memory_space<vmem>>, vector<16xi32>,
        %get3A_127 = arith.index_cast %add3A_110 : i32 to index
        %get3A_128 = arith.constant 16 : index
        %get3A_129 = tpu.vector_load %arg11[%get3A_127, %get3A_128] {strides = array<i32>} : memref<200x64xi32, #tpu.memory_space<vmem>>, vector<16xi32>,
        %bitcast3A_130 = vector.bitcast %get3A_126 : vector<16xi32> to vector<32xbf16>
        %bitcast3A_131 = vector.bitcast %get3A_129 : vector<16xi32> to vector<32xbf16>
        %mul3A_132 = arith.mulf %bitcast3A_130, %bitcast3A_131 : vector<32xbf16>
        %unpack3A_133 = tpu.unpack_subelements %mul3A_132, 0 {pack_format = #tpu.pack_format<interleaved>} : vector<32xbf16> -> vector<16xf32>
        %unpack3A_134 = tpu.unpack_subelements %mul3A_132, 1 {pack_format = #tpu.pack_format<interleaved>} : vector<32xbf16> -> vector<16xf32>
        %add3A_135 = arith.addf %add3A_122, %unpack3A_133 : vector<16xf32>
        %add3A_136 = arith.addf %add3A_123, %unpack3A_134 : vector<16xf32>
        %get3A_137 = arith.index_cast %add3A_110 : i32 to index
        %get3A_138 = arith.constant 32 : index
        %get3A_139 = tpu.vector_load %arg10[%get3A_137, %get3A_138] {strides = array<i32>} : memref<200x64xi32, #tpu.memory_space<vmem>>, vector<16xi32>,
        %get3A_140 = arith.index_cast %add3A_110 : i32 to index
        %get3A_141 = arith.constant 32 : index
        %get3A_142 = tpu.vector_load %arg11[%get3A_140, %get3A_141] {strides = array<i32>} : memref<200x64xi32, #tpu.memory_space<vmem>>, vector<16xi32>,
        %bitcast3A_143 = vector.bitcast %get3A_139 : vector<16xi32> to vector<32xbf16>
        %bitcast3A_144 = vector.bitcast %get3A_142 : vector<16xi32> to vector<32xbf16>
        %mul3A_145 = arith.mulf %bitcast3A_143, %bitcast3A_144 : vector<32xbf16>
        %unpack3A_146 = tpu.unpack_subelements %mul3A_145, 0 {pack_format = #tpu.pack_format<interleaved>} : vector<32xbf16> -> vector<16xf32>
        %unpack3A_147 = tpu.unpack_subelements %mul3A_145, 1 {pack_format = #tpu.pack_format<interleaved>} : vector<32xbf16> -> vector<16xf32>
        %add3A_148 = arith.addf %add3A_135, %unpack3A_146 : vector<16xf32>
        %add3A_149 = arith.addf %add3A_136, %unpack3A_147 : vector<16xf32>
        %get3A_150 = arith.index_cast %add3A_110 : i32 to index
        %get3A_151 = arith.constant 48 : index
        %get3A_152 = tpu.vector_load %arg10[%get3A_150, %get3A_151] {strides = array<i32>} : memref<200x64xi32, #tpu.memory_space<vmem>>, vector<16xi32>,
        %get3A_153 = arith.index_cast %add3A_110 : i32 to index
        %get3A_154 = arith.constant 48 : index
        %get3A_155 = tpu.vector_load %arg11[%get3A_153, %get3A_154] {strides = array<i32>} : memref<200x64xi32, #tpu.memory_space<vmem>>, vector<16xi32>,
        %bitcast3A_156 = vector.bitcast %get3A_152 : vector<16xi32> to vector<32xbf16>
        %bitcast3A_157 = vector.bitcast %get3A_155 : vector<16xi32> to vector<32xbf16>
        %mul3A_158 = arith.mulf %bitcast3A_156, %bitcast3A_157 : vector<32xbf16>
        %unpack3A_159 = tpu.unpack_subelements %mul3A_158, 0 {pack_format = #tpu.pack_format<interleaved>} : vector<32xbf16> -> vector<16xf32>
        %unpack3A_160 = tpu.unpack_subelements %mul3A_158, 1 {pack_format = #tpu.pack_format<interleaved>} : vector<32xbf16> -> vector<16xf32>
        %add3A_161 = arith.addf %add3A_148, %unpack3A_159 : vector<16xf32>
        %add3A_162 = arith.addf %add3A_149, %unpack3A_160 : vector<16xf32>
        %add3A_163 = arith.addf %add3A_161, %add3A_162 : vector<16xf32>
        %broadcast_in_dim3A_164 = arith.constant true
        %broadcast_in_dim3A_165 = vector.broadcast %broadcast_in_dim3A_164 : i1 to vector<16xi1>
        %masked_cumsum3A = tpu.scan <sum>, %add3A_163 masked %broadcast_in_dim3A_165 : vector<16xf32>, vector<16xi1> -> vector<16xf32>
        %mul3A_166 = arith.constant 200 : i32
        %mul3A_167 = arith.muli %add3A_73, %mul3A_166 : i32
        %add3A_168 = arith.addi %mul3A_167, %add3A_110 : i32
        %broadcast_in_dim3A_169 = vector.broadcast %add3A_168 : i32 to vector<16xi32>
        %eq3A = arith.constant 15 : i32
        %eq3A_170 = vector.broadcast %eq3A : i32 to vector<16xi32>
        %eq3A_171 = arith.cmpi eq, %iota3A, %eq3A_170 : vector<16xi32>
        tpu.vector_store_idx %arg12[%broadcast_in_dim3A_169], %masked_cumsum3A masked %eq3A_171 : memref<10000xf32, #tpu.memory_space<vmem>>[vector<16xi32>], vector<16xf32>, vector<16xi1>
        %mul3A_172 = arith.constant 8 : i32
        %mul3A_173 = arith.muli %scan3A_106, %mul3A_172 : i32
        %add3A_174 = arith.constant 1 : i32
        %add3A_175 = arith.addi %mul3A_173, %add3A_174 : i32
        %broadcast_in_dim3A_176 = arith.constant 0.000000e+00 : f32
        %broadcast_in_dim3A_177 = vector.broadcast %broadcast_in_dim3A_176 : f32 to vector<16xf32>
        %broadcast_in_dim3A_178 = arith.constant 0.000000e+00 : f32
        %broadcast_in_dim3A_179 = vector.broadcast %broadcast_in_dim3A_178 : f32 to vector<16xf32>
        %get3A_180 = arith.index_cast %add3A_175 : i32 to index
        %get3A_181 = arith.constant 0 : index
        %get3A_182 = tpu.vector_load %arg10[%get3A_180, %get3A_181] {strides = array<i32>} : memref<200x64xi32, #tpu.memory_space<vmem>>, vector<16xi32>,
        %get3A_183 = arith.index_cast %add3A_175 : i32 to index
        %get3A_184 = arith.constant 0 : index
        %get3A_185 = tpu.vector_load %arg11[%get3A_183, %get3A_184] {strides = array<i32>} : memref<200x64xi32, #tpu.memory_space<vmem>>, vector<16xi32>,
        %bitcast3A_186 = vector.bitcast %get3A_182 : vector<16xi32> to vector<32xbf16>
        %bitcast3A_187 = vector.bitcast %get3A_185 : vector<16xi32> to vector<32xbf16>
        %mul3A_188 = arith.mulf %bitcast3A_186, %bitcast3A_187 : vector<32xbf16>
        %unpack3A_189 = tpu.unpack_subelements %mul3A_188, 0 {pack_format = #tpu.pack_format<interleaved>} : vector<32xbf16> -> vector<16xf32>
        %unpack3A_190 = tpu.unpack_subelements %mul3A_188, 1 {pack_format = #tpu.pack_format<interleaved>} : vector<32xbf16> -> vector<16xf32>
        %add3A_191 = arith.addf %broadcast_in_dim3A_177, %unpack3A_189 : vector<16xf32>
        %add3A_192 = arith.addf %broadcast_in_dim3A_179, %unpack3A_190 : vector<16xf32>
        %get3A_193 = arith.index_cast %add3A_175 : i32 to index
        %get3A_194 = arith.constant 16 : index
        %get3A_195 = tpu.vector_load %arg10[%get3A_193, %get3A_194] {strides = array<i32>} : memref<200x64xi32, #tpu.memory_space<vmem>>, vector<16xi32>,
        %get3A_196 = arith.index_cast %add3A_175 : i32 to index
        %get3A_197 = arith.constant 16 : index
        %get3A_198 = tpu.vector_load %arg11[%get3A_196, %get3A_197] {strides = array<i32>} : memref<200x64xi32, #tpu.memory_space<vmem>>, vector<16xi32>,
        %bitcast3A_199 = vector.bitcast %get3A_195 : vector<16xi32> to vector<32xbf16>
        %bitcast3A_200 = vector.bitcast %get3A_198 : vector<16xi32> to vector<32xbf16>
        %mul3A_201 = arith.mulf %bitcast3A_199, %bitcast3A_200 : vector<32xbf16>
        %unpack3A_202 = tpu.unpack_subelements %mul3A_201, 0 {pack_format = #tpu.pack_format<interleaved>} : vector<32xbf16> -> vector<16xf32>
        %unpack3A_203 = tpu.unpack_subelements %mul3A_201, 1 {pack_format = #tpu.pack_format<interleaved>} : vector<32xbf16> -> vector<16xf32>
        %add3A_204 = arith.addf %add3A_191, %unpack3A_202 : vector<16xf32>
        %add3A_205 = arith.addf %add3A_192, %unpack3A_203 : vector<16xf32>
        %get3A_206 = arith.index_cast %add3A_175 : i32 to index
        %get3A_207 = arith.constant 32 : index
        %get3A_208 = tpu.vector_load %arg10[%get3A_206, %get3A_207] {strides = array<i32>} : memref<200x64xi32, #tpu.memory_space<vmem>>, vector<16xi32>,
        %get3A_209 = arith.index_cast %add3A_175 : i32 to index
        %get3A_210 = arith.constant 32 : index
        %get3A_211 = tpu.vector_load %arg11[%get3A_209, %get3A_210] {strides = array<i32>} : memref<200x64xi32, #tpu.memory_space<vmem>>, vector<16xi32>,
        %bitcast3A_212 = vector.bitcast %get3A_208 : vector<16xi32> to vector<32xbf16>
        %bitcast3A_213 = vector.bitcast %get3A_211 : vector<16xi32> to vector<32xbf16>
        %mul3A_214 = arith.mulf %bitcast3A_212, %bitcast3A_213 : vector<32xbf16>
        %unpack3A_215 = tpu.unpack_subelements %mul3A_214, 0 {pack_format = #tpu.pack_format<interleaved>} : vector<32xbf16> -> vector<16xf32>
        %unpack3A_216 = tpu.unpack_subelements %mul3A_214, 1 {pack_format = #tpu.pack_format<interleaved>} : vector<32xbf16> -> vector<16xf32>
        %add3A_217 = arith.addf %add3A_204, %unpack3A_215 : vector<16xf32>
        %add3A_218 = arith.addf %add3A_205, %unpack3A_216 : vector<16xf32>
        %get3A_219 = arith.index_cast %add3A_175 : i32 to index
        %get3A_220 = arith.constant 48 : index
        %get3A_221 = tpu.vector_load %arg10[%get3A_219, %get3A_220] {strides = array<i32>} : memref<200x64xi32, #tpu.memory_space<vmem>>, vector<16xi32>,
        %get3A_222 = arith.index_cast %add3A_175 : i32 to index
        %get3A_223 = arith.constant 48 : index
        %get3A_224 = tpu.vector_load %arg11[%get3A_222, %get3A_223] {strides = array<i32>} : memref<200x64xi32, #tpu.memory_space<vmem>>, vector<16xi32>,
        %bitcast3A_225 = vector.bitcast %get3A_221 : vector<16xi32> to vector<32xbf16>
        %bitcast3A_226 = vector.bitcast %get3A_224 : vector<16xi32> to vector<32xbf16>
        %mul3A_227 = arith.mulf %bitcast3A_225, %bitcast3A_226 : vector<32xbf16>
        %unpack3A_228 = tpu.unpack_subelements %mul3A_227, 0 {pack_format = #tpu.pack_format<interleaved>} : vector<32xbf16> -> vector<16xf32>
        %unpack3A_229 = tpu.unpack_subelements %mul3A_227, 1 {pack_format = #tpu.pack_format<interleaved>} : vector<32xbf16> -> vector<16xf32>
        %add3A_230 = arith.addf %add3A_217, %unpack3A_228 : vector<16xf32>
        %add3A_231 = arith.addf %add3A_218, %unpack3A_229 : vector<16xf32>
        %add3A_232 = arith.addf %add3A_230, %add3A_231 : vector<16xf32>
        %broadcast_in_dim3A_233 = arith.constant true
        %broadcast_in_dim3A_234 = vector.broadcast %broadcast_in_dim3A_233 : i1 to vector<16xi1>
        %masked_cumsum3A_235 = tpu.scan <sum>, %add3A_232 masked %broadcast_in_dim3A_234 : vector<16xf32>, vector<16xi1> -> vector<16xf32>
        %mul3A_236 = arith.constant 200 : i32
        %mul3A_237 = arith.muli %add3A_73, %mul3A_236 : i32
        %add3A_238 = arith.addi %mul3A_237, %add3A_175 : i32
        %broadcast_in_dim3A_239 = vector.broadcast %add3A_238 : i32 to vector<16xi32>
        %eq3A_240 = arith.constant 15 : i32
        %eq3A_241 = vector.broadcast %eq3A_240 : i32 to vector<16xi32>
        %eq3A_242 = arith.cmpi eq, %iota3A, %eq3A_241 : vector<16xi32>
        tpu.vector_store_idx %arg12[%broadcast_in_dim3A_239], %masked_cumsum3A_235 masked %eq3A_242 : memref<10000xf32, #tpu.memory_space<vmem>>[vector<16xi32>], vector<16xf32>, vector<16xi1>
        %mul3A_243 = arith.constant 8 : i32
        %mul3A_244 = arith.muli %scan3A_106, %mul3A_243 : i32
        %add3A_245 = arith.constant 2 : i32
        %add3A_246 = arith.addi %mul3A_244, %add3A_245 : i32
        %broadcast_in_dim3A_247 = arith.constant 0.000000e+00 : f32
        %broadcast_in_dim3A_248 = vector.broadcast %broadcast_in_dim3A_247 : f32 to vector<16xf32>
        %broadcast_in_dim3A_249 = arith.constant 0.000000e+00 : f32
        %broadcast_in_dim3A_250 = vector.broadcast %broadcast_in_dim3A_249 : f32 to vector<16xf32>
        %get3A_251 = arith.index_cast %add3A_246 : i32 to index
        %get3A_252 = arith.constant 0 : index
        %get3A_253 = tpu.vector_load %arg10[%get3A_251, %get3A_252] {strides = array<i32>} : memref<200x64xi32, #tpu.memory_space<vmem>>, vector<16xi32>,
        %get3A_254 = arith.index_cast %add3A_246 : i32 to index
        %get3A_255 = arith.constant 0 : index
        %get3A_256 = tpu.vector_load %arg11[%get3A_254, %get3A_255] {strides = array<i32>} : memref<200x64xi32, #tpu.memory_space<vmem>>, vector<16xi32>,
        %bitcast3A_257 = vector.bitcast %get3A_253 : vector<16xi32> to vector<32xbf16>
        %bitcast3A_258 = vector.bitcast %get3A_256 : vector<16xi32> to vector<32xbf16>
        %mul3A_259 = arith.mulf %bitcast3A_257, %bitcast3A_258 : vector<32xbf16>
        %unpack3A_260 = tpu.unpack_subelements %mul3A_259, 0 {pack_format = #tpu.pack_format<interleaved>} : vector<32xbf16> -> vector<16xf32>
        %unpack3A_261 = tpu.unpack_subelements %mul3A_259, 1 {pack_format = #tpu.pack_format<interleaved>} : vector<32xbf16> -> vector<16xf32>
        %add3A_262 = arith.addf %broadcast_in_dim3A_248, %unpack3A_260 : vector<16xf32>
        %add3A_263 = arith.addf %broadcast_in_dim3A_250, %unpack3A_261 : vector<16xf32>
        %get3A_264 = arith.index_cast %add3A_246 : i32 to index
        %get3A_265 = arith.constant 16 : index
        %get3A_266 = tpu.vector_load %arg10[%get3A_264, %get3A_265] {strides = array<i32>} : memref<200x64xi32, #tpu.memory_space<vmem>>, vector<16xi32>,
        %get3A_267 = arith.index_cast %add3A_246 : i32 to index
        %get3A_268 = arith.constant 16 : index
        %get3A_269 = tpu.vector_load %arg11[%get3A_267, %get3A_268] {strides = array<i32>} : memref<200x64xi32, #tpu.memory_space<vmem>>, vector<16xi32>,
        %bitcast3A_270 = vector.bitcast %get3A_266 : vector<16xi32> to vector<32xbf16>
        %bitcast3A_271 = vector.bitcast %get3A_269 : vector<16xi32> to vector<32xbf16>
        %mul3A_272 = arith.mulf %bitcast3A_270, %bitcast3A_271 : vector<32xbf16>
        %unpack3A_273 = tpu.unpack_subelements %mul3A_272, 0 {pack_format = #tpu.pack_format<interleaved>} : vector<32xbf16> -> vector<16xf32>
        %unpack3A_274 = tpu.unpack_subelements %mul3A_272, 1 {pack_format = #tpu.pack_format<interleaved>} : vector<32xbf16> -> vector<16xf32>
        %add3A_275 = arith.addf %add3A_262, %unpack3A_273 : vector<16xf32>
        %add3A_276 = arith.addf %add3A_263, %unpack3A_274 : vector<16xf32>
        %get3A_277 = arith.index_cast %add3A_246 : i32 to index
        %get3A_278 = arith.constant 32 : index
        %get3A_279 = tpu.vector_load %arg10[%get3A_277, %get3A_278] {strides = array<i32>} : memref<200x64xi32, #tpu.memory_space<vmem>>, vector<16xi32>,
        %get3A_280 = arith.index_cast %add3A_246 : i32 to index
        %get3A_281 = arith.constant 32 : index
        %get3A_282 = tpu.vector_load %arg11[%get3A_280, %get3A_281] {strides = array<i32>} : memref<200x64xi32, #tpu.memory_space<vmem>>, vector<16xi32>,
        %bitcast3A_283 = vector.bitcast %get3A_279 : vector<16xi32> to vector<32xbf16>
        %bitcast3A_284 = vector.bitcast %get3A_282 : vector<16xi32> to vector<32xbf16>
        %mul3A_285 = arith.mulf %bitcast3A_283, %bitcast3A_284 : vector<32xbf16>
        %unpack3A_286 = tpu.unpack_subelements %mul3A_285, 0 {pack_format = #tpu.pack_format<interleaved>} : vector<32xbf16> -> vector<16xf32>
        %unpack3A_287 = tpu.unpack_subelements %mul3A_285, 1 {pack_format = #tpu.pack_format<interleaved>} : vector<32xbf16> -> vector<16xf32>
        %add3A_288 = arith.addf %add3A_275, %unpack3A_286 : vector<16xf32>
        %add3A_289 = arith.addf %add3A_276, %unpack3A_287 : vector<16xf32>
        %get3A_290 = arith.index_cast %add3A_246 : i32 to index
        %get3A_291 = arith.constant 48 : index
        %get3A_292 = tpu.vector_load %arg10[%get3A_290, %get3A_291] {strides = array<i32>} : memref<200x64xi32, #tpu.memory_space<vmem>>, vector<16xi32>,
        %get3A_293 = arith.index_cast %add3A_246 : i32 to index
        %get3A_294 = arith.constant 48 : index
        %get3A_295 = tpu.vector_load %arg11[%get3A_293, %get3A_294] {strides = array<i32>} : memref<200x64xi32, #tpu.memory_space<vmem>>, vector<16xi32>,
        %bitcast3A_296 = vector.bitcast %get3A_292 : vector<16xi32> to vector<32xbf16>
        %bitcast3A_297 = vector.bitcast %get3A_295 : vector<16xi32> to vector<32xbf16>
        %mul3A_298 = arith.mulf %bitcast3A_296, %bitcast3A_297 : vector<32xbf16>
        %unpack3A_299 = tpu.unpack_subelements %mul3A_298, 0 {pack_format = #tpu.pack_format<interleaved>} : vector<32xbf16> -> vector<16xf32>
        %unpack3A_300 = tpu.unpack_subelements %mul3A_298, 1 {pack_format = #tpu.pack_format<interleaved>} : vector<32xbf16> -> vector<16xf32>
        %add3A_301 = arith.addf %add3A_288, %unpack3A_299 : vector<16xf32>
        %add3A_302 = arith.addf %add3A_289, %unpack3A_300 : vector<16xf32>
        %add3A_303 = arith.addf %add3A_301, %add3A_302 : vector<16xf32>
        %broadcast_in_dim3A_304 = arith.constant true
        %broadcast_in_dim3A_305 = vector.broadcast %broadcast_in_dim3A_304 : i1 to vector<16xi1>
        %masked_cumsum3A_306 = tpu.scan <sum>, %add3A_303 masked %broadcast_in_dim3A_305 : vector<16xf32>, vector<16xi1> -> vector<16xf32>
        %mul3A_307 = arith.constant 200 : i32
        %mul3A_308 = arith.muli %add3A_73, %mul3A_307 : i32
        %add3A_309 = arith.addi %mul3A_308, %add3A_246 : i32
        %broadcast_in_dim3A_310 = vector.broadcast %add3A_309 : i32 to vector<16xi32>
        %eq3A_311 = arith.constant 15 : i32
        %eq3A_312 = vector.broadcast %eq3A_311 : i32 to vector<16xi32>
        %eq3A_313 = arith.cmpi eq, %iota3A, %eq3A_312 : vector<16xi32>
        tpu.vector_store_idx %arg12[%broadcast_in_dim3A_310], %masked_cumsum3A_306 masked %eq3A_313 : memref<10000xf32, #tpu.memory_space<vmem>>[vector<16xi32>], vector<16xf32>, vector<16xi1>
        %mul3A_314 = arith.constant 8 : i32
        %mul3A_315 = arith.muli %scan3A_106, %mul3A_314 : i32
        %add3A_316 = arith.constant 3 : i32
        %add3A_317 = arith.addi %mul3A_315, %add3A_316 : i32
        %broadcast_in_dim3A_318 = arith.constant 0.000000e+00 : f32
        %broadcast_in_dim3A_319 = vector.broadcast %broadcast_in_dim3A_318 : f32 to vector<16xf32>
        %broadcast_in_dim3A_320 = arith.constant 0.000000e+00 : f32
        %broadcast_in_dim3A_321 = vector.broadcast %broadcast_in_dim3A_320 : f32 to vector<16xf32>
        %get3A_322 = arith.index_cast %add3A_317 : i32 to index
        %get3A_323 = arith.constant 0 : index
        %get3A_324 = tpu.vector_load %arg10[%get3A_322, %get3A_323] {strides = array<i32>} : memref<200x64xi32, #tpu.memory_space<vmem>>, vector<16xi32>,
        %get3A_325 = arith.index_cast %add3A_317 : i32 to index
        %get3A_326 = arith.constant 0 : index
        %get3A_327 = tpu.vector_load %arg11[%get3A_325, %get3A_326] {strides = array<i32>} : memref<200x64xi32, #tpu.memory_space<vmem>>, vector<16xi32>,
        %bitcast3A_328 = vector.bitcast %get3A_324 : vector<16xi32> to vector<32xbf16>
        %bitcast3A_329 = vector.bitcast %get3A_327 : vector<16xi32> to vector<32xbf16>
        %mul3A_330 = arith.mulf %bitcast3A_328, %bitcast3A_329 : vector<32xbf16>
        %unpack3A_331 = tpu.unpack_subelements %mul3A_330, 0 {pack_format = #tpu.pack_format<interleaved>} : vector<32xbf16> -> vector<16xf32>
        %unpack3A_332 = tpu.unpack_subelements %mul3A_330, 1 {pack_format = #tpu.pack_format<interleaved>} : vector<32xbf16> -> vector<16xf32>
        %add3A_333 = arith.addf %broadcast_in_dim3A_319, %unpack3A_331 : vector<16xf32>
        %add3A_334 = arith.addf %broadcast_in_dim3A_321, %unpack3A_332 : vector<16xf32>
        %get3A_335 = arith.index_cast %add3A_317 : i32 to index
        %get3A_336 = arith.constant 16 : index
        %get3A_337 = tpu.vector_load %arg10[%get3A_335, %get3A_336] {strides = array<i32>} : memref<200x64xi32, #tpu.memory_space<vmem>>, vector<16xi32>,
        %get3A_338 = arith.index_cast %add3A_317 : i32 to index
        %get3A_339 = arith.constant 16 : index
        %get3A_340 = tpu.vector_load %arg11[%get3A_338, %get3A_339] {strides = array<i32>} : memref<200x64xi32, #tpu.memory_space<vmem>>, vector<16xi32>,
        %bitcast3A_341 = vector.bitcast %get3A_337 : vector<16xi32> to vector<32xbf16>
        %bitcast3A_342 = vector.bitcast %get3A_340 : vector<16xi32> to vector<32xbf16>
        %mul3A_343 = arith.mulf %bitcast3A_341, %bitcast3A_342 : vector<32xbf16>
        %unpack3A_344 = tpu.unpack_subelements %mul3A_343, 0 {pack_format = #tpu.pack_format<interleaved>} : vector<32xbf16> -> vector<16xf32>
        %unpack3A_345 = tpu.unpack_subelements %mul3A_343, 1 {pack_format = #tpu.pack_format<interleaved>} : vector<32xbf16> -> vector<16xf32>
        %add3A_346 = arith.addf %add3A_333, %unpack3A_344 : vector<16xf32>
        %add3A_347 = arith.addf %add3A_334, %unpack3A_345 : vector<16xf32>
        %get3A_348 = arith.index_cast %add3A_317 : i32 to index
        %get3A_349 = arith.constant 32 : index
        %get3A_350 = tpu.vector_load %arg10[%get3A_348, %get3A_349] {strides = array<i32>} : memref<200x64xi32, #tpu.memory_space<vmem>>, vector<16xi32>,
        %get3A_351 = arith.index_cast %add3A_317 : i32 to index
        %get3A_352 = arith.constant 32 : index
        %get3A_353 = tpu.vector_load %arg11[%get3A_351, %get3A_352] {strides = array<i32>} : memref<200x64xi32, #tpu.memory_space<vmem>>, vector<16xi32>,
        %bitcast3A_354 = vector.bitcast %get3A_350 : vector<16xi32> to vector<32xbf16>
        %bitcast3A_355 = vector.bitcast %get3A_353 : vector<16xi32> to vector<32xbf16>
        %mul3A_356 = arith.mulf %bitcast3A_354, %bitcast3A_355 : vector<32xbf16>
        %unpack3A_357 = tpu.unpack_subelements %mul3A_356, 0 {pack_format = #tpu.pack_format<interleaved>} : vector<32xbf16> -> vector<16xf32>
        %unpack3A_358 = tpu.unpack_subelements %mul3A_356, 1 {pack_format = #tpu.pack_format<interleaved>} : vector<32xbf16> -> vector<16xf32>
        %add3A_359 = arith.addf %add3A_346, %unpack3A_357 : vector<16xf32>
        %add3A_360 = arith.addf %add3A_347, %unpack3A_358 : vector<16xf32>
        %get3A_361 = arith.index_cast %add3A_317 : i32 to index
        %get3A_362 = arith.constant 48 : index
        %get3A_363 = tpu.vector_load %arg10[%get3A_361, %get3A_362] {strides = array<i32>} : memref<200x64xi32, #tpu.memory_space<vmem>>, vector<16xi32>,
        %get3A_364 = arith.index_cast %add3A_317 : i32 to index
        %get3A_365 = arith.constant 48 : index
        %get3A_366 = tpu.vector_load %arg11[%get3A_364, %get3A_365] {strides = array<i32>} : memref<200x64xi32, #tpu.memory_space<vmem>>, vector<16xi32>,
        %bitcast3A_367 = vector.bitcast %get3A_363 : vector<16xi32> to vector<32xbf16>
        %bitcast3A_368 = vector.bitcast %get3A_366 : vector<16xi32> to vector<32xbf16>
        %mul3A_369 = arith.mulf %bitcast3A_367, %bitcast3A_368 : vector<32xbf16>
        %unpack3A_370 = tpu.unpack_subelements %mul3A_369, 0 {pack_format = #tpu.pack_format<interleaved>} : vector<32xbf16> -> vector<16xf32>
        %unpack3A_371 = tpu.unpack_subelements %mul3A_369, 1 {pack_format = #tpu.pack_format<interleaved>} : vector<32xbf16> -> vector<16xf32>
        %add3A_372 = arith.addf %add3A_359, %unpack3A_370 : vector<16xf32>
        %add3A_373 = arith.addf %add3A_360, %unpack3A_371 : vector<16xf32>
        %add3A_374 = arith.addf %add3A_372, %add3A_373 : vector<16xf32>
        %broadcast_in_dim3A_375 = arith.constant true
        %broadcast_in_dim3A_376 = vector.broadcast %broadcast_in_dim3A_375 : i1 to vector<16xi1>
        %masked_cumsum3A_377 = tpu.scan <sum>, %add3A_374 masked %broadcast_in_dim3A_376 : vector<16xf32>, vector<16xi1> -> vector<16xf32>
        %mul3A_378 = arith.constant 200 : i32
        %mul3A_379 = arith.muli %add3A_73, %mul3A_378 : i32
        %add3A_380 = arith.addi %mul3A_379, %add3A_317 : i32
        %broadcast_in_dim3A_381 = vector.broadcast %add3A_380 : i32 to vector<16xi32>
        %eq3A_382 = arith.constant 15 : i32
        %eq3A_383 = vector.broadcast %eq3A_382 : i32 to vector<16xi32>
        %eq3A_384 = arith.cmpi eq, %iota3A, %eq3A_383 : vector<16xi32>
        tpu.vector_store_idx %arg12[%broadcast_in_dim3A_381], %masked_cumsum3A_377 masked %eq3A_384 : memref<10000xf32, #tpu.memory_space<vmem>>[vector<16xi32>], vector<16xf32>, vector<16xi1>
        %mul3A_385 = arith.constant 8 : i32
        %mul3A_386 = arith.muli %scan3A_106, %mul3A_385 : i32
        %add3A_387 = arith.constant 4 : i32
        %add3A_388 = arith.addi %mul3A_386, %add3A_387 : i32
        %broadcast_in_dim3A_389 = arith.constant 0.000000e+00 : f32
        %broadcast_in_dim3A_390 = vector.broadcast %broadcast_in_dim3A_389 : f32 to vector<16xf32>
        %broadcast_in_dim3A_391 = arith.constant 0.000000e+00 : f32
        %broadcast_in_dim3A_392 = vector.broadcast %broadcast_in_dim3A_391 : f32 to vector<16xf32>
        %get3A_393 = arith.index_cast %add3A_388 : i32 to index
        %get3A_394 = arith.constant 0 : index
        %get3A_395 = tpu.vector_load %arg10[%get3A_393, %get3A_394] {strides = array<i32>} : memref<200x64xi32, #tpu.memory_space<vmem>>, vector<16xi32>,
        %get3A_396 = arith.index_cast %add3A_388 : i32 to index
        %get3A_397 = arith.constant 0 : index
        %get3A_398 = tpu.vector_load %arg11[%get3A_396, %get3A_397] {strides = array<i32>} : memref<200x64xi32, #tpu.memory_space<vmem>>, vector<16xi32>,
        %bitcast3A_399 = vector.bitcast %get3A_395 : vector<16xi32> to vector<32xbf16>
        %bitcast3A_400 = vector.bitcast %get3A_398 : vector<16xi32> to vector<32xbf16>
        %mul3A_401 = arith.mulf %bitcast3A_399, %bitcast3A_400 : vector<32xbf16>
        %unpack3A_402 = tpu.unpack_subelements %mul3A_401, 0 {pack_format = #tpu.pack_format<interleaved>} : vector<32xbf16> -> vector<16xf32>
        %unpack3A_403 = tpu.unpack_subelements %mul3A_401, 1 {pack_format = #tpu.pack_format<interleaved>} : vector<32xbf16> -> vector<16xf32>
        %add3A_404 = arith.addf %broadcast_in_dim3A_390, %unpack3A_402 : vector<16xf32>
        %add3A_405 = arith.addf %broadcast_in_dim3A_392, %unpack3A_403 : vector<16xf32>
        %get3A_406 = arith.index_cast %add3A_388 : i32 to index
        %get3A_407 = arith.constant 16 : index
        %get3A_408 = tpu.vector_load %arg10[%get3A_406, %get3A_407] {strides = array<i32>} : memref<200x64xi32, #tpu.memory_space<vmem>>, vector<16xi32>,
        %get3A_409 = arith.index_cast %add3A_388 : i32 to index
        %get3A_410 = arith.constant 16 : index
        %get3A_411 = tpu.vector_load %arg11[%get3A_409, %get3A_410] {strides = array<i32>} : memref<200x64xi32, #tpu.memory_space<vmem>>, vector<16xi32>,
        %bitcast3A_412 = vector.bitcast %get3A_408 : vector<16xi32> to vector<32xbf16>
        %bitcast3A_413 = vector.bitcast %get3A_411 : vector<16xi32> to vector<32xbf16>
        %mul3A_414 = arith.mulf %bitcast3A_412, %bitcast3A_413 : vector<32xbf16>
        %unpack3A_415 = tpu.unpack_subelements %mul3A_414, 0 {pack_format = #tpu.pack_format<interleaved>} : vector<32xbf16> -> vector<16xf32>
        %unpack3A_416 = tpu.unpack_subelements %mul3A_414, 1 {pack_format = #tpu.pack_format<interleaved>} : vector<32xbf16> -> vector<16xf32>
        %add3A_417 = arith.addf %add3A_404, %unpack3A_415 : vector<16xf32>
        %add3A_418 = arith.addf %add3A_405, %unpack3A_416 : vector<16xf32>
        %get3A_419 = arith.index_cast %add3A_388 : i32 to index
        %get3A_420 = arith.constant 32 : index
        %get3A_421 = tpu.vector_load %arg10[%get3A_419, %get3A_420] {strides = array<i32>} : memref<200x64xi32, #tpu.memory_space<vmem>>, vector<16xi32>,
        %get3A_422 = arith.index_cast %add3A_388 : i32 to index
        %get3A_423 = arith.constant 32 : index
        %get3A_424 = tpu.vector_load %arg11[%get3A_422, %get3A_423] {strides = array<i32>} : memref<200x64xi32, #tpu.memory_space<vmem>>, vector<16xi32>,
        %bitcast3A_425 = vector.bitcast %get3A_421 : vector<16xi32> to vector<32xbf16>
        %bitcast3A_426 = vector.bitcast %get3A_424 : vector<16xi32> to vector<32xbf16>
        %mul3A_427 = arith.mulf %bitcast3A_425, %bitcast3A_426 : vector<32xbf16>
        %unpack3A_428 = tpu.unpack_subelements %mul3A_427, 0 {pack_format = #tpu.pack_format<interleaved>} : vector<32xbf16> -> vector<16xf32>
        %unpack3A_429 = tpu.unpack_subelements %mul3A_427, 1 {pack_format = #tpu.pack_format<interleaved>} : vector<32xbf16> -> vector<16xf32>
        %add3A_430 = arith.addf %add3A_417, %unpack3A_428 : vector<16xf32>
        %add3A_431 = arith.addf %add3A_418, %unpack3A_429 : vector<16xf32>
        %get3A_432 = arith.index_cast %add3A_388 : i32 to index
        %get3A_433 = arith.constant 48 : index
        %get3A_434 = tpu.vector_load %arg10[%get3A_432, %get3A_433] {strides = array<i32>} : memref<200x64xi32, #tpu.memory_space<vmem>>, vector<16xi32>,
        %get3A_435 = arith.index_cast %add3A_388 : i32 to index
        %get3A_436 = arith.constant 48 : index
        %get3A_437 = tpu.vector_load %arg11[%get3A_435, %get3A_436] {strides = array<i32>} : memref<200x64xi32, #tpu.memory_space<vmem>>, vector<16xi32>,
        %bitcast3A_438 = vector.bitcast %get3A_434 : vector<16xi32> to vector<32xbf16>
        %bitcast3A_439 = vector.bitcast %get3A_437 : vector<16xi32> to vector<32xbf16>
        %mul3A_440 = arith.mulf %bitcast3A_438, %bitcast3A_439 : vector<32xbf16>
        %unpack3A_441 = tpu.unpack_subelements %mul3A_440, 0 {pack_format = #tpu.pack_format<interleaved>} : vector<32xbf16> -> vector<16xf32>
        %unpack3A_442 = tpu.unpack_subelements %mul3A_440, 1 {pack_format = #tpu.pack_format<interleaved>} : vector<32xbf16> -> vector<16xf32>
        %add3A_443 = arith.addf %add3A_430, %unpack3A_441 : vector<16xf32>
        %add3A_444 = arith.addf %add3A_431, %unpack3A_442 : vector<16xf32>
        %add3A_445 = arith.addf %add3A_443, %add3A_444 : vector<16xf32>
        %broadcast_in_dim3A_446 = arith.constant true
        %broadcast_in_dim3A_447 = vector.broadcast %broadcast_in_dim3A_446 : i1 to vector<16xi1>
        %masked_cumsum3A_448 = tpu.scan <sum>, %add3A_445 masked %broadcast_in_dim3A_447 : vector<16xf32>, vector<16xi1> -> vector<16xf32>
        %mul3A_449 = arith.constant 200 : i32
        %mul3A_450 = arith.muli %add3A_73, %mul3A_449 : i32
        %add3A_451 = arith.addi %mul3A_450, %add3A_388 : i32
        %broadcast_in_dim3A_452 = vector.broadcast %add3A_451 : i32 to vector<16xi32>
        %eq3A_453 = arith.constant 15 : i32
        %eq3A_454 = vector.broadcast %eq3A_453 : i32 to vector<16xi32>
        %eq3A_455 = arith.cmpi eq, %iota3A, %eq3A_454 : vector<16xi32>
        tpu.vector_store_idx %arg12[%broadcast_in_dim3A_452], %masked_cumsum3A_448 masked %eq3A_455 : memref<10000xf32, #tpu.memory_space<vmem>>[vector<16xi32>], vector<16xf32>, vector<16xi1>
        %mul3A_456 = arith.constant 8 : i32
        %mul3A_457 = arith.muli %scan3A_106, %mul3A_456 : i32
        %add3A_458 = arith.constant 5 : i32
        %add3A_459 = arith.addi %mul3A_457, %add3A_458 : i32
        %broadcast_in_dim3A_460 = arith.constant 0.000000e+00 : f32
        %broadcast_in_dim3A_461 = vector.broadcast %broadcast_in_dim3A_460 : f32 to vector<16xf32>
        %broadcast_in_dim3A_462 = arith.constant 0.000000e+00 : f32
        %broadcast_in_dim3A_463 = vector.broadcast %broadcast_in_dim3A_462 : f32 to vector<16xf32>
        %get3A_464 = arith.index_cast %add3A_459 : i32 to index
        %get3A_465 = arith.constant 0 : index
        %get3A_466 = tpu.vector_load %arg10[%get3A_464, %get3A_465] {strides = array<i32>} : memref<200x64xi32, #tpu.memory_space<vmem>>, vector<16xi32>,
        %get3A_467 = arith.index_cast %add3A_459 : i32 to index
        %get3A_468 = arith.constant 0 : index
        %get3A_469 = tpu.vector_load %arg11[%get3A_467, %get3A_468] {strides = array<i32>} : memref<200x64xi32, #tpu.memory_space<vmem>>, vector<16xi32>,
        %bitcast3A_470 = vector.bitcast %get3A_466 : vector<16xi32> to vector<32xbf16>
        %bitcast3A_471 = vector.bitcast %get3A_469 : vector<16xi32> to vector<32xbf16>
        %mul3A_472 = arith.mulf %bitcast3A_470, %bitcast3A_471 : vector<32xbf16>
        %unpack3A_473 = tpu.unpack_subelements %mul3A_472, 0 {pack_format = #tpu.pack_format<interleaved>} : vector<32xbf16> -> vector<16xf32>
        %unpack3A_474 = tpu.unpack_subelements %mul3A_472, 1 {pack_format = #tpu.pack_format<interleaved>} : vector<32xbf16> -> vector<16xf32>
        %add3A_475 = arith.addf %broadcast_in_dim3A_461, %unpack3A_473 : vector<16xf32>
        %add3A_476 = arith.addf %broadcast_in_dim3A_463, %unpack3A_474 : vector<16xf32>
        %get3A_477 = arith.index_cast %add3A_459 : i32 to index
        %get3A_478 = arith.constant 16 : index
        %get3A_479 = tpu.vector_load %arg10[%get3A_477, %get3A_478] {strides = array<i32>} : memref<200x64xi32, #tpu.memory_space<vmem>>, vector<16xi32>,
        %get3A_480 = arith.index_cast %add3A_459 : i32 to index
        %get3A_481 = arith.constant 16 : index
        %get3A_482 = tpu.vector_load %arg11[%get3A_480, %get3A_481] {strides = array<i32>} : memref<200x64xi32, #tpu.memory_space<vmem>>, vector<16xi32>,
        %bitcast3A_483 = vector.bitcast %get3A_479 : vector<16xi32> to vector<32xbf16>
        %bitcast3A_484 = vector.bitcast %get3A_482 : vector<16xi32> to vector<32xbf16>
        %mul3A_485 = arith.mulf %bitcast3A_483, %bitcast3A_484 : vector<32xbf16>
        %unpack3A_486 = tpu.unpack_subelements %mul3A_485, 0 {pack_format = #tpu.pack_format<interleaved>} : vector<32xbf16> -> vector<16xf32>
        %unpack3A_487 = tpu.unpack_subelements %mul3A_485, 1 {pack_format = #tpu.pack_format<interleaved>} : vector<32xbf16> -> vector<16xf32>
        %add3A_488 = arith.addf %add3A_475, %unpack3A_486 : vector<16xf32>
        %add3A_489 = arith.addf %add3A_476, %unpack3A_487 : vector<16xf32>
        %get3A_490 = arith.index_cast %add3A_459 : i32 to index
        %get3A_491 = arith.constant 32 : index
        %get3A_492 = tpu.vector_load %arg10[%get3A_490, %get3A_491] {strides = array<i32>} : memref<200x64xi32, #tpu.memory_space<vmem>>, vector<16xi32>,
        %get3A_493 = arith.index_cast %add3A_459 : i32 to index
        %get3A_494 = arith.constant 32 : index
        %get3A_495 = tpu.vector_load %arg11[%get3A_493, %get3A_494] {strides = array<i32>} : memref<200x64xi32, #tpu.memory_space<vmem>>, vector<16xi32>,
        %bitcast3A_496 = vector.bitcast %get3A_492 : vector<16xi32> to vector<32xbf16>
        %bitcast3A_497 = vector.bitcast %get3A_495 : vector<16xi32> to vector<32xbf16>
        %mul3A_498 = arith.mulf %bitcast3A_496, %bitcast3A_497 : vector<32xbf16>
        %unpack3A_499 = tpu.unpack_subelements %mul3A_498, 0 {pack_format = #tpu.pack_format<interleaved>} : vector<32xbf16> -> vector<16xf32>
        %unpack3A_500 = tpu.unpack_subelements %mul3A_498, 1 {pack_format = #tpu.pack_format<interleaved>} : vector<32xbf16> -> vector<16xf32>
        %add3A_501 = arith.addf %add3A_488, %unpack3A_499 : vector<16xf32>
        %add3A_502 = arith.addf %add3A_489, %unpack3A_500 : vector<16xf32>
        %get3A_503 = arith.index_cast %add3A_459 : i32 to index
        %get3A_504 = arith.constant 48 : index
        %get3A_505 = tpu.vector_load %arg10[%get3A_503, %get3A_504] {strides = array<i32>} : memref<200x64xi32, #tpu.memory_space<vmem>>, vector<16xi32>,
        %get3A_506 = arith.index_cast %add3A_459 : i32 to index
        %get3A_507 = arith.constant 48 : index
        %get3A_508 = tpu.vector_load %arg11[%get3A_506, %get3A_507] {strides = array<i32>} : memref<200x64xi32, #tpu.memory_space<vmem>>, vector<16xi32>,
        %bitcast3A_509 = vector.bitcast %get3A_505 : vector<16xi32> to vector<32xbf16>
        %bitcast3A_510 = vector.bitcast %get3A_508 : vector<16xi32> to vector<32xbf16>
        %mul3A_511 = arith.mulf %bitcast3A_509, %bitcast3A_510 : vector<32xbf16>
        %unpack3A_512 = tpu.unpack_subelements %mul3A_511, 0 {pack_format = #tpu.pack_format<interleaved>} : vector<32xbf16> -> vector<16xf32>
        %unpack3A_513 = tpu.unpack_subelements %mul3A_511, 1 {pack_format = #tpu.pack_format<interleaved>} : vector<32xbf16> -> vector<16xf32>
        %add3A_514 = arith.addf %add3A_501, %unpack3A_512 : vector<16xf32>
        %add3A_515 = arith.addf %add3A_502, %unpack3A_513 : vector<16xf32>
        %add3A_516 = arith.addf %add3A_514, %add3A_515 : vector<16xf32>
        %broadcast_in_dim3A_517 = arith.constant true
        %broadcast_in_dim3A_518 = vector.broadcast %broadcast_in_dim3A_517 : i1 to vector<16xi1>
        %masked_cumsum3A_519 = tpu.scan <sum>, %add3A_516 masked %broadcast_in_dim3A_518 : vector<16xf32>, vector<16xi1> -> vector<16xf32>
        %mul3A_520 = arith.constant 200 : i32
        %mul3A_521 = arith.muli %add3A_73, %mul3A_520 : i32
        %add3A_522 = arith.addi %mul3A_521, %add3A_459 : i32
        %broadcast_in_dim3A_523 = vector.broadcast %add3A_522 : i32 to vector<16xi32>
        %eq3A_524 = arith.constant 15 : i32
        %eq3A_525 = vector.broadcast %eq3A_524 : i32 to vector<16xi32>
        %eq3A_526 = arith.cmpi eq, %iota3A, %eq3A_525 : vector<16xi32>
        tpu.vector_store_idx %arg12[%broadcast_in_dim3A_523], %masked_cumsum3A_519 masked %eq3A_526 : memref<10000xf32, #tpu.memory_space<vmem>>[vector<16xi32>], vector<16xf32>, vector<16xi1>
        %mul3A_527 = arith.constant 8 : i32
        %mul3A_528 = arith.muli %scan3A_106, %mul3A_527 : i32
        %add3A_529 = arith.constant 6 : i32
        %add3A_530 = arith.addi %mul3A_528, %add3A_529 : i32
        %broadcast_in_dim3A_531 = arith.constant 0.000000e+00 : f32
        %broadcast_in_dim3A_532 = vector.broadcast %broadcast_in_dim3A_531 : f32 to vector<16xf32>
        %broadcast_in_dim3A_533 = arith.constant 0.000000e+00 : f32
        %broadcast_in_dim3A_534 = vector.broadcast %broadcast_in_dim3A_533 : f32 to vector<16xf32>
        %get3A_535 = arith.index_cast %add3A_530 : i32 to index
        %get3A_536 = arith.constant 0 : index
        %get3A_537 = tpu.vector_load %arg10[%get3A_535, %get3A_536] {strides = array<i32>} : memref<200x64xi32, #tpu.memory_space<vmem>>, vector<16xi32>,
        %get3A_538 = arith.index_cast %add3A_530 : i32 to index
        %get3A_539 = arith.constant 0 : index
        %get3A_540 = tpu.vector_load %arg11[%get3A_538, %get3A_539] {strides = array<i32>} : memref<200x64xi32, #tpu.memory_space<vmem>>, vector<16xi32>,
        %bitcast3A_541 = vector.bitcast %get3A_537 : vector<16xi32> to vector<32xbf16>
        %bitcast3A_542 = vector.bitcast %get3A_540 : vector<16xi32> to vector<32xbf16>
        %mul3A_543 = arith.mulf %bitcast3A_541, %bitcast3A_542 : vector<32xbf16>
        %unpack3A_544 = tpu.unpack_subelements %mul3A_543, 0 {pack_format = #tpu.pack_format<interleaved>} : vector<32xbf16> -> vector<16xf32>
        %unpack3A_545 = tpu.unpack_subelements %mul3A_543, 1 {pack_format = #tpu.pack_format<interleaved>} : vector<32xbf16> -> vector<16xf32>
        %add3A_546 = arith.addf %broadcast_in_dim3A_532, %unpack3A_544 : vector<16xf32>
        %add3A_547 = arith.addf %broadcast_in_dim3A_534, %unpack3A_545 : vector<16xf32>
        %get3A_548 = arith.index_cast %add3A_530 : i32 to index
        %get3A_549 = arith.constant 16 : index
        %get3A_550 = tpu.vector_load %arg10[%get3A_548, %get3A_549] {strides = array<i32>} : memref<200x64xi32, #tpu.memory_space<vmem>>, vector<16xi32>,
        %get3A_551 = arith.index_cast %add3A_530 : i32 to index
        %get3A_552 = arith.constant 16 : index
        %get3A_553 = tpu.vector_load %arg11[%get3A_551, %get3A_552] {strides = array<i32>} : memref<200x64xi32, #tpu.memory_space<vmem>>, vector<16xi32>,
        %bitcast3A_554 = vector.bitcast %get3A_550 : vector<16xi32> to vector<32xbf16>
        %bitcast3A_555 = vector.bitcast %get3A_553 : vector<16xi32> to vector<32xbf16>
        %mul3A_556 = arith.mulf %bitcast3A_554, %bitcast3A_555 : vector<32xbf16>
        %unpack3A_557 = tpu.unpack_subelements %mul3A_556, 0 {pack_format = #tpu.pack_format<interleaved>} : vector<32xbf16> -> vector<16xf32>
        %unpack3A_558 = tpu.unpack_subelements %mul3A_556, 1 {pack_format = #tpu.pack_format<interleaved>} : vector<32xbf16> -> vector<16xf32>
        %add3A_559 = arith.addf %add3A_546, %unpack3A_557 : vector<16xf32>
        %add3A_560 = arith.addf %add3A_547, %unpack3A_558 : vector<16xf32>
        %get3A_561 = arith.index_cast %add3A_530 : i32 to index
        %get3A_562 = arith.constant 32 : index
        %get3A_563 = tpu.vector_load %arg10[%get3A_561, %get3A_562] {strides = array<i32>} : memref<200x64xi32, #tpu.memory_space<vmem>>, vector<16xi32>,
        %get3A_564 = arith.index_cast %add3A_530 : i32 to index
        %get3A_565 = arith.constant 32 : index
        %get3A_566 = tpu.vector_load %arg11[%get3A_564, %get3A_565] {strides = array<i32>} : memref<200x64xi32, #tpu.memory_space<vmem>>, vector<16xi32>,
        %bitcast3A_567 = vector.bitcast %get3A_563 : vector<16xi32> to vector<32xbf16>
        %bitcast3A_568 = vector.bitcast %get3A_566 : vector<16xi32> to vector<32xbf16>
        %mul3A_569 = arith.mulf %bitcast3A_567, %bitcast3A_568 : vector<32xbf16>
        %unpack3A_570 = tpu.unpack_subelements %mul3A_569, 0 {pack_format = #tpu.pack_format<interleaved>} : vector<32xbf16> -> vector<16xf32>
        %unpack3A_571 = tpu.unpack_subelements %mul3A_569, 1 {pack_format = #tpu.pack_format<interleaved>} : vector<32xbf16> -> vector<16xf32>
        %add3A_572 = arith.addf %add3A_559, %unpack3A_570 : vector<16xf32>
        %add3A_573 = arith.addf %add3A_560, %unpack3A_571 : vector<16xf32>
        %get3A_574 = arith.index_cast %add3A_530 : i32 to index
        %get3A_575 = arith.constant 48 : index
        %get3A_576 = tpu.vector_load %arg10[%get3A_574, %get3A_575] {strides = array<i32>} : memref<200x64xi32, #tpu.memory_space<vmem>>, vector<16xi32>,
        %get3A_577 = arith.index_cast %add3A_530 : i32 to index
        %get3A_578 = arith.constant 48 : index
        %get3A_579 = tpu.vector_load %arg11[%get3A_577, %get3A_578] {strides = array<i32>} : memref<200x64xi32, #tpu.memory_space<vmem>>, vector<16xi32>,
        %bitcast3A_580 = vector.bitcast %get3A_576 : vector<16xi32> to vector<32xbf16>
        %bitcast3A_581 = vector.bitcast %get3A_579 : vector<16xi32> to vector<32xbf16>
        %mul3A_582 = arith.mulf %bitcast3A_580, %bitcast3A_581 : vector<32xbf16>
        %unpack3A_583 = tpu.unpack_subelements %mul3A_582, 0 {pack_format = #tpu.pack_format<interleaved>} : vector<32xbf16> -> vector<16xf32>
        %unpack3A_584 = tpu.unpack_subelements %mul3A_582, 1 {pack_format = #tpu.pack_format<interleaved>} : vector<32xbf16> -> vector<16xf32>
        %add3A_585 = arith.addf %add3A_572, %unpack3A_583 : vector<16xf32>
        %add3A_586 = arith.addf %add3A_573, %unpack3A_584 : vector<16xf32>
        %add3A_587 = arith.addf %add3A_585, %add3A_586 : vector<16xf32>
        %broadcast_in_dim3A_588 = arith.constant true
        %broadcast_in_dim3A_589 = vector.broadcast %broadcast_in_dim3A_588 : i1 to vector<16xi1>
        %masked_cumsum3A_590 = tpu.scan <sum>, %add3A_587 masked %broadcast_in_dim3A_589 : vector<16xf32>, vector<16xi1> -> vector<16xf32>
        %mul3A_591 = arith.constant 200 : i32
        %mul3A_592 = arith.muli %add3A_73, %mul3A_591 : i32
        %add3A_593 = arith.addi %mul3A_592, %add3A_530 : i32
        %broadcast_in_dim3A_594 = vector.broadcast %add3A_593 : i32 to vector<16xi32>
        %eq3A_595 = arith.constant 15 : i32
        %eq3A_596 = vector.broadcast %eq3A_595 : i32 to vector<16xi32>
        %eq3A_597 = arith.cmpi eq, %iota3A, %eq3A_596 : vector<16xi32>
        tpu.vector_store_idx %arg12[%broadcast_in_dim3A_594], %masked_cumsum3A_590 masked %eq3A_597 : memref<10000xf32, #tpu.memory_space<vmem>>[vector<16xi32>], vector<16xf32>, vector<16xi1>
        %mul3A_598 = arith.constant 8 : i32
        %mul3A_599 = arith.muli %scan3A_106, %mul3A_598 : i32
        %add3A_600 = arith.constant 7 : i32
        %add3A_601 = arith.addi %mul3A_599, %add3A_600 : i32
        %broadcast_in_dim3A_602 = arith.constant 0.000000e+00 : f32
        %broadcast_in_dim3A_603 = vector.broadcast %broadcast_in_dim3A_602 : f32 to vector<16xf32>
        %broadcast_in_dim3A_604 = arith.constant 0.000000e+00 : f32
        %broadcast_in_dim3A_605 = vector.broadcast %broadcast_in_dim3A_604 : f32 to vector<16xf32>
        %get3A_606 = arith.index_cast %add3A_601 : i32 to index
        %get3A_607 = arith.constant 0 : index
        %get3A_608 = tpu.vector_load %arg10[%get3A_606, %get3A_607] {strides = array<i32>} : memref<200x64xi32, #tpu.memory_space<vmem>>, vector<16xi32>,
        %get3A_609 = arith.index_cast %add3A_601 : i32 to index
        %get3A_610 = arith.constant 0 : index
        %get3A_611 = tpu.vector_load %arg11[%get3A_609, %get3A_610] {strides = array<i32>} : memref<200x64xi32, #tpu.memory_space<vmem>>, vector<16xi32>,
        %bitcast3A_612 = vector.bitcast %get3A_608 : vector<16xi32> to vector<32xbf16>
        %bitcast3A_613 = vector.bitcast %get3A_611 : vector<16xi32> to vector<32xbf16>
        %mul3A_614 = arith.mulf %bitcast3A_612, %bitcast3A_613 : vector<32xbf16>
        %unpack3A_615 = tpu.unpack_subelements %mul3A_614, 0 {pack_format = #tpu.pack_format<interleaved>} : vector<32xbf16> -> vector<16xf32>
        %unpack3A_616 = tpu.unpack_subelements %mul3A_614, 1 {pack_format = #tpu.pack_format<interleaved>} : vector<32xbf16> -> vector<16xf32>
        %add3A_617 = arith.addf %broadcast_in_dim3A_603, %unpack3A_615 : vector<16xf32>
        %add3A_618 = arith.addf %broadcast_in_dim3A_605, %unpack3A_616 : vector<16xf32>
        %get3A_619 = arith.index_cast %add3A_601 : i32 to index
        %get3A_620 = arith.constant 16 : index
        %get3A_621 = tpu.vector_load %arg10[%get3A_619, %get3A_620] {strides = array<i32>} : memref<200x64xi32, #tpu.memory_space<vmem>>, vector<16xi32>,
        %get3A_622 = arith.index_cast %add3A_601 : i32 to index
        %get3A_623 = arith.constant 16 : index
        %get3A_624 = tpu.vector_load %arg11[%get3A_622, %get3A_623] {strides = array<i32>} : memref<200x64xi32, #tpu.memory_space<vmem>>, vector<16xi32>,
        %bitcast3A_625 = vector.bitcast %get3A_621 : vector<16xi32> to vector<32xbf16>
        %bitcast3A_626 = vector.bitcast %get3A_624 : vector<16xi32> to vector<32xbf16>
        %mul3A_627 = arith.mulf %bitcast3A_625, %bitcast3A_626 : vector<32xbf16>
        %unpack3A_628 = tpu.unpack_subelements %mul3A_627, 0 {pack_format = #tpu.pack_format<interleaved>} : vector<32xbf16> -> vector<16xf32>
        %unpack3A_629 = tpu.unpack_subelements %mul3A_627, 1 {pack_format = #tpu.pack_format<interleaved>} : vector<32xbf16> -> vector<16xf32>
        %add3A_630 = arith.addf %add3A_617, %unpack3A_628 : vector<16xf32>
        %add3A_631 = arith.addf %add3A_618, %unpack3A_629 : vector<16xf32>
        %get3A_632 = arith.index_cast %add3A_601 : i32 to index
        %get3A_633 = arith.constant 32 : index
        %get3A_634 = tpu.vector_load %arg10[%get3A_632, %get3A_633] {strides = array<i32>} : memref<200x64xi32, #tpu.memory_space<vmem>>, vector<16xi32>,
        %get3A_635 = arith.index_cast %add3A_601 : i32 to index
        %get3A_636 = arith.constant 32 : index
        %get3A_637 = tpu.vector_load %arg11[%get3A_635, %get3A_636] {strides = array<i32>} : memref<200x64xi32, #tpu.memory_space<vmem>>, vector<16xi32>,
        %bitcast3A_638 = vector.bitcast %get3A_634 : vector<16xi32> to vector<32xbf16>
        %bitcast3A_639 = vector.bitcast %get3A_637 : vector<16xi32> to vector<32xbf16>
        %mul3A_640 = arith.mulf %bitcast3A_638, %bitcast3A_639 : vector<32xbf16>
        %unpack3A_641 = tpu.unpack_subelements %mul3A_640, 0 {pack_format = #tpu.pack_format<interleaved>} : vector<32xbf16> -> vector<16xf32>
        %unpack3A_642 = tpu.unpack_subelements %mul3A_640, 1 {pack_format = #tpu.pack_format<interleaved>} : vector<32xbf16> -> vector<16xf32>
        %add3A_643 = arith.addf %add3A_630, %unpack3A_641 : vector<16xf32>
        %add3A_644 = arith.addf %add3A_631, %unpack3A_642 : vector<16xf32>
        %get3A_645 = arith.index_cast %add3A_601 : i32 to index
        %get3A_646 = arith.constant 48 : index
        %get3A_647 = tpu.vector_load %arg10[%get3A_645, %get3A_646] {strides = array<i32>} : memref<200x64xi32, #tpu.memory_space<vmem>>, vector<16xi32>,
        %get3A_648 = arith.index_cast %add3A_601 : i32 to index
        %get3A_649 = arith.constant 48 : index
        %get3A_650 = tpu.vector_load %arg11[%get3A_648, %get3A_649] {strides = array<i32>} : memref<200x64xi32, #tpu.memory_space<vmem>>, vector<16xi32>,
        %bitcast3A_651 = vector.bitcast %get3A_647 : vector<16xi32> to vector<32xbf16>
        %bitcast3A_652 = vector.bitcast %get3A_650 : vector<16xi32> to vector<32xbf16>
        %mul3A_653 = arith.mulf %bitcast3A_651, %bitcast3A_652 : vector<32xbf16>
        %unpack3A_654 = tpu.unpack_subelements %mul3A_653, 0 {pack_format = #tpu.pack_format<interleaved>} : vector<32xbf16> -> vector<16xf32>
        %unpack3A_655 = tpu.unpack_subelements %mul3A_653, 1 {pack_format = #tpu.pack_format<interleaved>} : vector<32xbf16> -> vector<16xf32>
        %add3A_656 = arith.addf %add3A_643, %unpack3A_654 : vector<16xf32>
        %add3A_657 = arith.addf %add3A_644, %unpack3A_655 : vector<16xf32>
        %add3A_658 = arith.addf %add3A_656, %add3A_657 : vector<16xf32>
        %broadcast_in_dim3A_659 = arith.constant true
        %broadcast_in_dim3A_660 = vector.broadcast %broadcast_in_dim3A_659 : i1 to vector<16xi1>
        %masked_cumsum3A_661 = tpu.scan <sum>, %add3A_658 masked %broadcast_in_dim3A_660 : vector<16xf32>, vector<16xi1> -> vector<16xf32>
        %mul3A_662 = arith.constant 200 : i32
        %mul3A_663 = arith.muli %add3A_73, %mul3A_662 : i32
        %add3A_664 = arith.addi %mul3A_663, %add3A_601 : i32
        %broadcast_in_dim3A_665 = vector.broadcast %add3A_664 : i32 to vector<16xi32>
        %eq3A_666 = arith.constant 15 : i32
        %eq3A_667 = vector.broadcast %eq3A_666 : i32 to vector<16xi32>
        %eq3A_668 = arith.cmpi eq, %iota3A, %eq3A_667 : vector<16xi32>
        tpu.vector_store_idx %arg12[%broadcast_in_dim3A_665], %masked_cumsum3A_661 masked %eq3A_668 : memref<10000xf32, #tpu.memory_space<vmem>>[vector<16xi32>], vector<16xf32>, vector<16xi1>
      }
      %scan3A_105 = arith.constant 25 : i32
    }
    %scan3A_23 = arith.constant 25 : i32
    %dma_wait3A_24 = arith.constant 0 : i32
    %dma_wait3A_25 = tpu.memref_slice %arg6[%dma_wait3A_24] : memref<10000xi32, #tpu.memory_space<vmem>> -> memref<200xi32, #tpu.memory_space<vmem>>
    %dma_wait3A_26 = arith.constant 0 : i32
    %dma_wait3A_27 = arith.constant 0 : i32
    %dma_wait3A_28 = tpu.memref_slice %arg2[%dma_wait3A_26, %dma_wait3A_27] : memref<10000x64xi32, #tpu.memory_space<hbm>> -> memref<10000x64xi32, #tpu.memory_space<hbm>>
    tpu.wait_indirect_dma semaphore(%arg14 : memref<!tpu.dma_semaphore, #tpu.memory_space<semaphore_mem>>) src(%dma_wait3A_28 : memref<10000x64xi32, #tpu.memory_space<hbm>>) dst(%arg8 : memref<200x64xi32, #tpu.memory_space<vmem>>)
    %dma_wait3A_29 = arith.constant 0 : i32
    %dma_wait3A_30 = tpu.memref_slice %arg7[%dma_wait3A_29] : memref<10000xi32, #tpu.memory_space<vmem>> -> memref<200xi32, #tpu.memory_space<vmem>>
    %dma_wait3A_31 = arith.constant 0 : i32
    %dma_wait3A_32 = arith.constant 0 : i32
    %dma_wait3A_33 = tpu.memref_slice %arg2[%dma_wait3A_31, %dma_wait3A_32] : memref<10000x64xi32, #tpu.memory_space<hbm>> -> memref<10000x64xi32, #tpu.memory_space<hbm>>
    tpu.wait_indirect_dma semaphore(%arg15 : memref<!tpu.dma_semaphore, #tpu.memory_space<semaphore_mem>>) src(%dma_wait3A_33 : memref<10000x64xi32, #tpu.memory_space<hbm>>) dst(%arg9 : memref<200x64xi32, #tpu.memory_space<vmem>>)
    "tpu.region"() ({
      %run_scoped3A = tpu.sem_alloc : memref<!tpu.dma_semaphore, #tpu.memory_space<semaphore_mem>>
      %dma_start3A_34 = tpu.memref_slice %arg5[%mul3A_2] : memref<320000xf32, #tpu.memory_space<hbm>> -> memref<10000xf32, #tpu.memory_space<hbm>>
      %dma_start3A_35 = tpu.memref_slice %arg5[%mul3A_2] : memref<320000xf32, #tpu.memory_space<hbm>> -> memref<10000xf32, #tpu.memory_space<hbm>>
      tpu.enqueue_dma source(%arg12 : memref<10000xf32, #tpu.memory_space<vmem>>) target(%dma_start3A_35 : memref<10000xf32, #tpu.memory_space<hbm>>) target_semaphore(%run_scoped3A : memref<!tpu.dma_semaphore, #tpu.memory_space<semaphore_mem>>)
      %dma_wait3A_36 = tpu.memref_slice %arg5[%mul3A_2] : memref<320000xf32, #tpu.memory_space<hbm>> -> memref<10000xf32, #tpu.memory_space<hbm>>
      %dma_wait3A_37 = tpu.memref_slice %arg5[%mul3A_2] : memref<320000xf32, #tpu.memory_space<hbm>> -> memref<10000xf32, #tpu.memory_space<hbm>>
      tpu.wait_dma2 semaphore(%run_scoped3A : memref<!tpu.dma_semaphore, #tpu.memory_space<semaphore_mem>>) src(%arg12 : memref<10000xf32, #tpu.memory_space<vmem>>) dst(%dma_wait3A_37 : memref<10000xf32, #tpu.memory_space<hbm>>)
      tpu.yield
    }) : () -> ()
    return
  }
}

module attributes {stable_mosaic.version = 14 : i64} {
  func.func @_norm_body(%arg0: memref<2500x128xf32, #tpu.memory_space<vmem>>, %arg1: memref<2500x128xf32, #tpu.memory_space<vmem>>) attributes {dimension_semantics = [], scalar_prefetch = 0 : i64, scratch_operands = 0 : i64, tpu.core_type = #tpu.core_type<tc>} {
    %get3A = arith.constant 0 : index
    %get3A_0 = arith.constant 0 : index
    %get3A_1 = vector.load %arg0[%get3A, %get3A_0] : memref<2500x128xf32, #tpu.memory_space<vmem>>, vector<2500x128xf32>
    %reduce_min3A = vector.shape_cast %get3A_1 : vector<2500x128xf32> to vector<1x2500x128xf32>
    %reduce_min3A_2 = arith.constant dense<0x7F800000> : vector<1xf32>
    %reduce_min3A_3 = vector.multi_reduction <minimumf>, %reduce_min3A, %reduce_min3A_2 [1, 2] : vector<1x2500x128xf32> to vector<1xf32>
    %reduce_min3A_4 = vector.shape_cast %reduce_min3A_3 : vector<1xf32> to vector<1x1x1xf32>
    %reduce_min3A_5 = vector.extract %reduce_min3A_4[0, 0, 0] : f32 from vector<1x1x1xf32>
    %reduce_max3A = vector.shape_cast %get3A_1 : vector<2500x128xf32> to vector<1x2500x128xf32>
    %reduce_max3A_6 = arith.constant dense<0xFF800000> : vector<1xf32>
    %reduce_max3A_7 = vector.multi_reduction <maximumf>, %reduce_max3A, %reduce_max3A_6 [1, 2] : vector<1x2500x128xf32> to vector<1xf32>
    %reduce_max3A_8 = vector.shape_cast %reduce_max3A_7 : vector<1xf32> to vector<1x1x1xf32>
    %reduce_max3A_9 = vector.extract %reduce_max3A_8[0, 0, 0] : f32 from vector<1x1x1xf32>
    %sub3A = vector.broadcast %reduce_min3A_5 : f32 to vector<2500x128xf32>
    %sub3A_10 = arith.subf %get3A_1, %sub3A : vector<2500x128xf32>
    %sub3A_11 = arith.subf %reduce_max3A_9, %reduce_min3A_5 : f32
    %div3A = vector.broadcast %sub3A_11 : f32 to vector<2500x128xf32>
    %div3A_12 = arith.divf %sub3A_10, %div3A : vector<2500x128xf32>
    %eq3A = arith.constant 0.000000e+00 : f32
    %eq3A_13 = vector.broadcast %eq3A : f32 to vector<2500x128xf32>
    %eq3A_14 = arith.cmpf oeq, %div3A_12, %eq3A_13 : vector<2500x128xf32>
    %jit3A = arith.constant 0.000000e+00 : f32
    %jit3A_15 = arith.constant 1.000000e+00 : f32
    %broadcast_in_dim3A = vector.broadcast %jit3A : f32 to vector<2500x128xf32>
    %broadcast_in_dim3A_16 = vector.broadcast %jit3A_15 : f32 to vector<2500x128xf32>
    %select_n3A = arith.select %eq3A_14, %broadcast_in_dim3A, %broadcast_in_dim3A_16 : vector<2500x128xi1>, vector<2500x128xf32>
    %swap3A = arith.constant 0 : index
    %swap3A_17 = arith.constant 0 : index
    %swap3A_18 = vector.load %arg1[%swap3A, %swap3A_17] : memref<2500x128xf32, #tpu.memory_space<vmem>>, vector<2500x128xf32>
    tpu.vector_store %arg1[%swap3A, %swap3A_17], %select_n3A {strides = array<i32>} : memref<2500x128xf32, #tpu.memory_space<vmem>>, vector<2500x128xf32>,
    return
  }
}

</mosaic_0001>

<sc_bundles>
// kernel: kernel.4.cloned.1.call-start
scs
__scs_entry_jumppad:
0x0: {  	(pc) =	sbr.rel $0x88, $3  }
0x1: {  	(tag) =	ssettag $0x0;
	lr =	simm.s32 $0x1  }
0x2: {  	[smem:$0x3F9F] =	sst lr;
	_ =	strace $0xD0000000  }
0x3: {  	_ = 	snop  }
0x4: {  	_ = 	snop  }
0x5: {  	_ = 	snop  }
0x6: {  	_ = 	snop  }
0x7: {  	_ = 	snop  }
__scs_overlays_trampoline_lowered:
0x8: {  	[smem:$0x3FAE] =	sst s0  }
0x9: {  	[smem:$0x3FAF] =	sst s1  }
0xa: {  	[smem:$0x3FB0] =	sst s2  }
0xb: {  	[smem:$0x3FB1] =	sst s3  }
0xc: {  	[smem:$0x3FB2] =	sst s4  }
0xd: {  	[smem:$0x3FB3] =	sst s5  }
0xe: {  	[smem:$0x3FB4] =	sst s6  }
0xf: {  	[smem:$0x3FB5] =	sst s7  }
0x10: {  	[smem:$0x3FB6] =	sst s8  }
0x11: {  	[smem:$0x3FB7] =	sst s9;
	s0 =	simm.s32 @!p0 $0x0  }
0x12: {  	s1 =	sld [smem:$0x3F9D];
	s0 =	simm.s32 @p0 $0x1  }
0x13: {  	[smem:$0x3FB8] =	sst s0;
	s0 =	simm.s32 @!p1 $0x0  }
0x14: {  	s2 =	sld [smem:$0x3F9C];
	s0 =	simm.s32 @p1 $0x1  }
0x15: {  	[smem:$0x3FB9] =	sst s0;
	s0 =	simm.s32 @!p2 $0x0  }
0x16: {  	s3 =	sld [smem:$0x3FDB];
	s0 =	simm.s32 @p2 $0x1  }
0x17: {  	s4 =	simm.s32 $0x1BF5;
	[smem:$0x3FBB] =	sst s0  }
0x18: {  	s0 =	sld [smem:$0x3F9E];
	_ =	swait.ge [sflag:s4], $0x0  }
0x19: {  	s7 =	sld [smem:$0x3F9F]  }
0x1a: {  	s8 =	sadd.s32 $0xFFFFE003, lr  }
0x1b: {  	s9 =	sadd.s32 $0xFFFFFEF7, lr;
	s5 =	simm.s32 $0xFFFFFFFF;
	p2 =	slt.u32 s8, $0xFFFFF086  }
0x1c: {  	p1 =	slt.u32 s9, $0xF7A;
	s5 =	simm.s32 @!p2 $0x0  }
0x1d: {  	s5 =	simm.s32 @p1 $0x1;
	p0 =	seq.s32 s7, s2  }
0x1e: {  	s7 =	smul.u32 @!p0 $0xF7A, s2;
	p2 =	seq.s32 @!p0 s5, $0x0  }
0x1f: {  	s9 =	smul.u32 $0xF7A, s1;
	s8 =	simm.s32 @!p0 $0x1BF5;
	p2 =	por !p2, p0  }
0x20: {  	[sflag:s8] =	ssyncset.s32 @!p0 $0xFFFFF086;
	s6 =	sadd.s32 @!p0 s3, s7;
	s7 =	simm.s32 @!p0 $0x108  }
0x21: {  	s3 =	sadd.s32 s3, s9;
	s6 =	sadd.s32 @!p0 $0x88, s6;
	s7 =	simm.s32 @p2 $0x1082  }
0x22: {  	[simem:s7], [sflag:s8] =	dma.local @!p0 [hbm:s6], $0xF7A  }
0x23: {  	s9 =	sor.u32 $0xD0000000, s2;
	s6 =	simm.s32 $0x108;
	_ =	swait.ge @!p0 [sflag:s8], $0x0  }
0x24: {  	s3 =	sadd.s32 $0x88, s3;
	s6 =	simm.s32 @!p1 $0x1082;
	[sflag:s4] =	ssyncset.s32 $0xFFFFF086  }
0x25: {  	[simem:s6], [sflag:s4] =	dma.local [hbm:s3], $0xF7A  }
0x26: {  	[smem:$0x3F9F] =	sst s1;
	(tag) =	ssettag s2;
	_ =	strace s9  }
0x27: {  	s1 =	sld [smem:$0x3FAF]  }
0x28: {  	s2 =	sld [smem:$0x3FB0]  }
0x29: {  	s4 =	sld [smem:$0x3FB2]  }
0x2a: {  	p0 =	seq.s32 s5, $0x0;
	s5 =	sld [smem:$0x3FB3]  }
0x2b: {  	s6 =	sld [smem:$0x3FB4]  }
0x2c: {  	s7 =	sld [smem:$0x3FB5]  }
0x2d: {  	s3 =	simm.s32 $0x108;
	s8 =	sld [smem:$0x3FB6]  }
0x2e: {  	s3 =	simm.s32 @!p0 $0x1082;
	s9 =	sld [smem:$0x3FB7]  }
0x2f: {  	lr =	sadd.s32 s0, s3;
	s0 =	sld [smem:$0x3FAE]  }
0x30: {  	s3 =	sld [smem:$0x3FB1]  }
0x31: {  	[smem:$0x3FBA] =	sst s10  }
0x32: {  	s10 =	sld [smem:$0x3FB8];
	_ =	sdelay $0x3  }
0x33: {  	p0 =	seq.s32 s10, $0x1;
	s10 =	sld [smem:$0x3FBA];
	_ =	sdelay $0x3  }
0x34: {  	[smem:$0x3FBA] =	sst s10  }
0x35: {  	s10 =	sld [smem:$0x3FB9];
	_ =	sdelay $0x3  }
0x36: {  	p1 =	seq.s32 s10, $0x1;
	s10 =	sld [smem:$0x3FBA];
	_ =	sdelay $0x3  }
0x37: {  	[smem:$0x3FBA] =	sst s10  }
0x38: {  	s10 =	sld [smem:$0x3FBB]  }
0x39: {  	_ = 	snop;
	(pc) =	sbr.ind lr, $3  }
0x3a: {  	_ = 	snop  }
0x3b: {  	_ = 	snop  }
0x3c: {  	p2 =	seq.s32 s10, $0x1;
	s10 =	sld [smem:$0x3FBA]  }
0x3d: {  	_ =	shalt  }
0x3e: {  	_ =	shalt  }
0x3f: {  	_ =	shalt  }
0x40: {  	_ =	shalt  }
0x41: {  	_ =	shalt  }
0x42: {  	_ =	shalt  }
0x43: {  	_ =	shalt  }
0x44: {  	_ =	shalt  }
0x45: {  	_ =	shalt  }
0x46: {  	_ =	shalt  }
0x47: {  	_ =	shalt  }
0x48: {  	_ =	shalt  }
0x49: {  	_ =	shalt  }
0x4a: {  	_ =	shalt  }
0x4b: {  	_ =	shalt  }
0x4c: {  	_ =	shalt  }
0x4d: {  	_ =	shalt  }
0x4e: {  	_ =	shalt  }
0x4f: {  	_ =	shalt  }
0x50: {  	_ =	shalt  }
0x51: {  	_ =	shalt  }
0x52: {  	_ =	shalt  }
0x53: {  	_ =	shalt  }
0x54: {  	_ =	shalt  }
0x55: {  	_ =	shalt  }
0x56: {  	_ =	shalt  }
0x57: {  	_ =	shalt  }
0x58: {  	_ =	shalt  }
0x59: {  	_ =	shalt  }
0x5a: {  	_ =	shalt  }
0x5b: {  	_ =	shalt  }
0x5c: {  	_ =	shalt  }
0x5d: {  	_ =	shalt  }
0x5e: {  	_ =	shalt  }
0x5f: {  	_ =	shalt  }
0x60: {  	_ =	shalt  }
0x61: {  	_ =	shalt  }
0x62: {  	_ =	shalt  }
0x63: {  	_ =	shalt  }
0x64: {  	_ =	shalt  }
0x65: {  	_ =	shalt  }
0x66: {  	_ =	shalt  }
0x67: {  	_ =	shalt  }
0x68: {  	_ =	shalt  }
0x69: {  	_ =	shalt  }
0x6a: {  	_ =	shalt  }
0x6b: {  	_ =	shalt  }
0x6c: {  	_ =	shalt  }
0x6d: {  	_ =	shalt  }
0x6e: {  	_ =	shalt  }
0x6f: {  	_ =	shalt  }
0x70: {  	_ =	shalt  }
0x71: {  	_ =	shalt  }
0x72: {  	_ =	shalt  }
0x73: {  	_ =	shalt  }
0x74: {  	_ =	shalt  }
0x75: {  	_ =	shalt  }
0x76: {  	_ =	shalt  }
0x77: {  	_ =	shalt  }
0x78: {  	_ =	shalt  }
0x79: {  	_ =	shalt  }
0x7a: {  	_ =	shalt  }
0x7b: {  	_ =	shalt  }
0x7c: {  	_ =	shalt  }
0x7d: {  	_ =	shalt  }
0x7e: {  	_ =	shalt  }
0x7f: {  	_ =	shalt  }
0x80: {  	_ =	shalt  }
0x81: {  	_ =	shalt  }
0x82: {  	_ =	shalt  }
0x83: {  	_ =	shalt  }
0x84: {  	_ =	shalt  }
0x85: {  	_ =	shalt  }
0x86: {  	_ =	shalt  }
0x87: {  	_ =	shalt  }
.Lfunc_end0:
.L_simem_size_0:
called_computation_lowered:
.L_overlay_start_0:
0x88: {  	s2 =	sld [smem:$0x3FD9]  }
0x89: {  	s3 =	sld [smem:$0x3FFE];
	_ =	sdelay $0x1  }
0x8a: {  	s1 =	srdreg.scid  }
0x8b: {  	s0 =	sand.u32 $0x1, s1  }
0x8c: {  	s16 =	sshll.u32 s0, $0xA;
	s2 =	sadd.s32 s3, s2  }
0x8d: {  	s2 =	sadd.s32 s2, s16  }
0x8e: {  	[smem:$0x3FC6] =	sst s2  }
0x8f: {  	_ = 	snop  }
0x90: {  	(tm) =	ssettm $0x1  }
0x91: {  	s17 =	sld [smem:$0x3FFB];
	_ =	sdelay $0x3  }
0x92: {  	_ =	strace s17  }
0x93: {  	s2 =	sld [smem:$0x3FFC];
	_ =	sdelay $0x3  }
0x94: {  	_ =	strace s2  }
0x95: {  	s2 =	sld [smem:$0x3FFD];
	_ =	sdelay $0x3  }
0x96: {  	_ =	strace s2  }
0x97: {  	_ =	strace $0x8FFFFFFF  }
0x98: {  	s18 =	sld [smem:$0x3FDB];
	_ =	sdelay $0x1  }
0x99: {  	s19 =	simm.s32 $_scs_section_size  }
0x9a: {  	s4 =	simm.s32 $_size__tile_overlayer_lowered;
	s5 =	simm.s32 $_tile_overlayer_lowered  }
0x9b: {  	s22 =	simm.s32 $0x1BFF;
	s21 =	sshll.u32 s5, $0x1;
	s2 =	sadd.s32 s19, s18  }
0x9c: {  	s6 =	simm.s32 $0x0;
	s20 =	sshll.u32 s4, $0x1;
	s4 =	sadd.s32 s21, s2  }
0x9d: {  	[timem:s6], [sflag:s22] =	dma.local [hbm:s4], s20  }
0x9e: {  	_ =	swait.ge [sflag:s22], s20  }
0x9f: {  	s3 =	ssub.s32 $0x0, s20;
	[sflag:s22] =	ssyncset.done $0x0  }
0xa0: {  	[sflag:s22] =	ssyncadd.s32 s3;
	_ =	sdelay $0x1  }
0xa1: {  	s23 =	simm.s32 $0x1B8B  }
0xa2: {  	_ =	swait.ge [sflag:s23], $0x1  }
0xa3: {  	[sflag:s23] =	ssyncset.done $0x0  }
0xa4: {  	s25 =	simm.s32 $0x1B8E;
	s24 =	sld [smem:$0x3FFE];
	[sflag:s23] =	ssyncadd.s32 $0xFFFFFFFF  }
0xa5: {  	s26 =	simm.s32 $execute0_lowered;
	[smem:$0x3FD2] =	sst s25  }
0xa6: {  	s4 =	sshll.u32 s26, $0x1;
	_ =	strace $0x80000046;
	[dreg:$0x1] =	wrdreg $0xFFFFFFFF  }
0xa7: {  	s28 =	simm.s32 $_size_execute0_lowered;
	s2 =	sadd.s32 s2, s4;
	[dreg:$0x0] =	wrdreg $0x0  }
0xa8: {  	s4 =	sshll.u32 s28, $0x1;
	[dreg:$0x2] =	wrdreg s2  }
0xa9: {  	[dreg:$0x3] =	wrdreg s4  }
0xaa: {  	[dreg:$0x4] =	wrdreg $0xC0  }
0xab: {  	_ =	task [dreg:s6], $0x5FFFF  }
0xac: {  	[dreg:$0x1] =	wrdreg $0xFFFFFFFF  }
0xad: {  	[dreg:$0x0] =	wrdreg $0x60  }
0xae: {  	[dreg:$0x2] =	wrdreg s24  }
0xaf: {  	[dreg:$0x3] =	wrdreg $0x9  }
0xb0: {  	_ =	task.clear_ibuf [dreg:s6], $0x4FFFF;
	_ =	strace $0x90000046  }
0xb1: {  	s29 =	simm.s32 $0x9;
	_ =	strace $0x80000048  }
0xb2: {  	_ =	swait.ge [sflag:s29], $0x1  }
0xb3: {  	[sflag:s29] =	ssyncadd.s32 $0xFFFFFFFF  }
0xb4: {  	_ =	strace $0x90000048  }
0xb5: {  	_ =	sfence  }
0xb6: {  	s30 =	sld [smem:$0x0];
	_ =	sdelay $0x2  }
0xb7: {  	s31 =	sshll.u32 s1, $0xD;
	s1 =	sshrl.u32 s1, $0x2  }
0xb8: {  	s3 =	sand.u32 $0x4000, s31;
	s1 =	sadd.s32 s1, s30  }
0xb9: {  	s0 =	sor.u32 s3, s0;
	s1 =	sshll.u32 s1, $0x11  }
0xba: {  	s0 =	sor.u32 s1, s0  }
0xbb: {  	s0 =	sadd.s32 $0x8F2B, s0  }
0xbc: {  	[sflag:s0] =	ssyncadd.remote.s32 $0x1  }
0xbd: {  	_ =	sfence.sel $0xFFFF  }
0xbe: {  	[dreg:$0x0] =	wrdreg $0xFFFFFFFF;
	(pc) =	sbr.abs _section_cstart, $3  }
0xbf: {  	[dreg:$0x1] =	wrdreg $0xFFFFFFFF  }
0xc0: {  	_ =	task.clear_ibuf [dreg:s6], $0x2FFFF;
	_ =	strace $0x9FFFFFFF  }
0xc1: {  	(tm) =	ssettm $0x7FFFFFFF  }
tec
execute0_lowered:
.L_overlay_start_1:
0x0: {  	(tag) =	ssettag $0x1  }
0x1: {  	s1 =	srdreg.scid;
	s0 =	stileid.u32  }
0x2: {  	s2 =	rddreg [dreg:$0x0];
	s9 =	simm.s32 $0x1;
	s10 =	simm.s32 $0xC8  }
0x3: {  	s11 =	simm.s32 $0x4E20;
	s12 =	simm.s32 $0x8020;
	s13 =	simm.s32 $0xB220  }
0x4: {  	s14 =	simm.s32 $0xE420;
	s15 =	simm.s32 $0x2;
	s16 =	simm.s32 $0x3  }
0x5: {  	s17 =	simm.s32 $0x11620;
	s4 =	sand.u32 $0x1, s1;
	s3 =	sshll.u32 s0, $0x1  }
0x6: {  	s18 =	simm.s32 $0x4;
	s19 =	simm.s32 $0x5;
	s5 =	sor.u32 s4, s3  }
0x7: {  	s20 =	simm.s32 $0x6;
	s3 =	simm.s32 $0x0;
	s5 =	smul.u32 $0x4E2, s5  }
0x8: {  	s21 =	simm.s32 $0x0;
	s4 =	ssub.s32 $0x2, s4;
	[smem:$0x7FF] =	sst s3  }
0x9: {  	s6 =	sshrl.u32 s4, $0x1;
	_ =	strace $0x80000047;
	s7 =	sadd.s32 s5, s2  }
0xa: {  	v0 =	vimm.s32 $0x0;
	vm0 =	vcmask $0x300;
	s8 =	ssub.s32 s4, s6;
	s31 =	sadd.s32 $0x1D800, s7;
	s5 =	sadd.s32 $0x13A00, s7  }
0xb: {  	v0 =	vsel vm0, $0x3, v0;
	vm0 =	vcmask $0x3F3C;
	s6 =	sadd.s32 $0x27600, s7;
	s7 =	smax.u32 s8, $0x1;
	[dreg:$0x2] =	wrdreg s31  }
.LBB2_1:
0xc: {  	s0 =	rddreg [dreg:$0x2]  }
0xd: {  	[tilespmem:s3], [sflag:$0x1] =	stream.linear.gather [hbm4b:s0+s3], $0x2710, $0x38;
	[tilespmem:$0x13D30] =	vst v63  }
0xe: {  	s31 =	simm.s32 $0x2710  }
0xf: {  	[tilespmem:s31], [sflag:$0x1] =	stream.linear.gather [hbm4b:s5+s3], $0x2710, $0x38;
	[tilespmem:$0x13D30] =	vst v63  }
0x10: {  	_ =	swait.ge [sflag:s9], $0x2710  }
0x11: {  	[sflag:s9] =	ssyncset.done $0x0  }
0x12: {  	[sflag:s9] =	ssyncadd.s32 $0xFFFFD8F0  }
0x13: {  	_ =	swait.ge [sflag:s9], $0x2710  }
0x14: {  	[sflag:s9] =	ssyncset.done $0x0  }
0x15: {  	[sflag:s9] =	ssyncadd.s32 $0xFFFFD8F0  }
0x16: {  	[tilespmem:s11], [sflag:$0x2] =	stream.indirect.gather [hbm4b:s2+s10], $0x40, s3, s10, $0xb8;
	[tilespmem:$0x13D30] =	vst v63  }
0x17: {  	s22 =	simm.s32 $0x0;
	s23 =	simm.s32 $0x0  }
0x18: {  	[tilespmem:s12], [sflag:$0x3] =	stream.indirect.gather [hbm4b:s2+s10], $0x40, s31, s10, $0xb8;
	[tilespmem:$0x13D30] =	vst v63  }
.LBB2_2:
0x19: {  	s24 =	smul.u32 $0x190, s23;
	_ =	sdelay $0x1  }
0x1a: {  	s25 =	sadd.s32 $0xC8, s24  }
0x1b: {  	[tilespmem:s13], [sflag:$0x4] =	stream.indirect.gather [hbm4b:s2+s10], $0x40, s25, s10, $0xb8;
	[tilespmem:$0x13D30] =	vst v63  }
0x1c: {  	s24 =	sadd.s32 $0x27D8, s24  }
0x1d: {  	[tilespmem:s14], [sflag:$0x5] =	stream.indirect.gather [hbm4b:s2+s10], $0x40, s24, s10, $0xb8;
	[tilespmem:$0x13D30] =	vst v63  }
0x1e: {  	_ =	swait.ge [sflag:s15], $0x3200  }
0x1f: {  	[sflag:s15] =	ssyncset.done $0x0  }
0x20: {  	[sflag:s15] =	ssyncadd.s32 $0xFFFFCE00  }
0x21: {  	_ =	swait.ge [sflag:s16], $0x3200  }
0x22: {  	[sflag:s16] =	ssyncset.done $0x0  }
0x23: {  	s24 =	simm.s32 $0x8120;
	[sflag:s16] =	ssyncadd.s32 $0xFFFFCE00  }
0x24: {  	s25 =	simm.s32 $0x4F20;
	v1 =	vld [tilespmem:s24+$0xFFFFFF00]  }
0x25: {  	v2 =	vld [tilespmem:s25+$0xFFFFFF00]  }
0x26: {  	v3 =	vld [tilespmem:s25+$0xFFFFFF10]  }
0x27: {  	v4 =	vld [tilespmem:s24+$0xFFFFFF10]  }
0x28: {  	v5 =	vld [tilespmem:s24+$0xFFFFFF20]  }
0x29: {  	v6 =	vld [tilespmem:s25+$0xFFFFFF20]  }
0x2a: {  	v7 =	vld [tilespmem:s25+$0xFFFFFF30];
	v1 =	vmul.bf16 v1, v2  }
0x2b: {  	v2 =	vld [tilespmem:s24+$0xFFFFFF30]  }
0x2c: {  	v3 =	vmul.bf16 v4, v3;
	v8 =	vunpack.i.u.bf16.f32 v1;
	v1 =	vunpack.i.l.bf16.f32 v1  }
0x2d: {  	v1 =	vadd.f32 $0.0e+00, v1;
	v4 =	vadd.f32 $0.0e+00, v8  }
0x2e: {  	v5 =	vmul.bf16 v5, v6;
	v51 =	vunpack.i.u.bf16.f32 v3;
	v3 =	vunpack.i.l.bf16.f32 v3  }
0x2f: {  	v1 =	vadd.f32 v3, v1;
	v3 =	vadd.f32 v51, v4  }
0x30: {  	v4 =	vunpack.i.u.bf16.f32 v5;
	v5 =	vunpack.i.l.bf16.f32 v5;
	v2 =	vmul.bf16 v2, v7  }
0x31: {  	v1 =	vadd.f32 v5, v1;
	v3 =	vadd.f32 v4, v3  }
0x32: {  	v4 =	vunpack.i.u.bf16.f32 v2;
	v2 =	vunpack.i.l.bf16.f32 v2  }
0x33: {  	v1 =	vadd.f32 v2, v1;
	v2 =	vadd.f32 v4, v3;
	_ =	sdelay $0x1  }
0x34: {  	v1 =	vadd.f32 v1, v2;
	_ =	sdelay $0x1  }
0x35: {  	(xrf2) =	vadd.scan.msk.f32 $0xffff, v1  }
0x36: {  	s26 =	sadd.s32 $0x0, s22  }
0x37: {  	v1 =	vmov s26  }
0x38: {  	v1 =	vshrl.u32 v1, $0x3  }
0x39: {  	v1 =	vshll.u32 v1, v0  }
0x3a: {  	v1 =	vbroadcast v1, $0x0;
	_ =	sdelay $0x4  }
0x3b: {  	v2, _, _ =	vpop (xrf2)  }
0x3c: {  	[tilespmem:v1+s17+$0x0] =	vst.idx.msk vm0, v2  }
0x3d: {  	v1 =	vld [tilespmem:s25+$0xFFFFFF40]  }
0x3e: {  	v2 =	vld [tilespmem:s24+$0xFFFFFF40]  }
0x3f: {  	v3 =	vld [tilespmem:s25+$0xFFFFFF50]  }
0x40: {  	v4 =	vld [tilespmem:s24+$0xFFFFFF50]  }
0x41: {  	v5 =	vld [tilespmem:s24+$0xFFFFFF60]  }
0x42: {  	v6 =	vld [tilespmem:s25+$0xFFFFFF60]  }
0x43: {  	v7 =	vld [tilespmem:s25+$0xFFFFFF70];
	v1 =	vmul.bf16 v2, v1  }
0x44: {  	v2 =	vld [tilespmem:s24+$0xFFFFFF70]  }
0x45: {  	v3 =	vmul.bf16 v4, v3;
	v52 =	vunpack.i.u.bf16.f32 v1;
	v1 =	vunpack.i.l.bf16.f32 v1  }
0x46: {  	v1 =	vadd.f32 $0.0e+00, v1;
	v4 =	vadd.f32 $0.0e+00, v52  }
0x47: {  	v5 =	vmul.bf16 v5, v6;
	v53 =	vunpack.i.u.bf16.f32 v3;
	v3 =	vunpack.i.l.bf16.f32 v3  }
0x48: {  	v1 =	vadd.f32 v3, v1;
	v3 =	vadd.f32 v53, v4  }
0x49: {  	v4 =	vunpack.i.u.bf16.f32 v5;
	v5 =	vunpack.i.l.bf16.f32 v5;
	v2 =	vmul.bf16 v2, v7  }
0x4a: {  	v1 =	vadd.f32 v5, v1;
	v3 =	vadd.f32 v4, v3  }
0x4b: {  	v4 =	vunpack.i.u.bf16.f32 v2;
	v2 =	vunpack.i.l.bf16.f32 v2  }
0x4c: {  	v1 =	vadd.f32 v2, v1;
	v2 =	vadd.f32 v4, v3;
	_ =	sdelay $0x1  }
0x4d: {  	v1 =	vadd.f32 v1, v2;
	_ =	sdelay $0x1  }
0x4e: {  	s28 =	sadd.s32 $0x1, s26;
	(xrf2) =	vadd.scan.msk.f32 $0xffff, v1  }
0x4f: {  	v1 =	vmov s28  }
0x50: {  	v1 =	vshrl.u32 v1, $0x3  }
0x51: {  	v1 =	vshll.u32 v1, v0  }
0x52: {  	v1 =	vadd.s32 $0x1, v1  }
0x53: {  	v1 =	vbroadcast v1, $0x0;
	_ =	sdelay $0x4  }
0x54: {  	v2, _, _ =	vpop (xrf2)  }
0x55: {  	[tilespmem:v1+s17+$0x0] =	vst.idx.msk vm0, v2  }
0x56: {  	v1 =	vld [tilespmem:s25+$0xFFFFFF80]  }
0x57: {  	v2 =	vld [tilespmem:s24+$0xFFFFFF80]  }
0x58: {  	v3 =	vld [tilespmem:s24+$0xFFFFFF90]  }
0x59: {  	v4 =	vld [tilespmem:s25+$0xFFFFFF90]  }
0x5a: {  	v5 =	vld [tilespmem:s24+$0xFFFFFFA0]  }
0x5b: {  	v6 =	vld [tilespmem:s25+$0xFFFFFFA0]  }
0x5c: {  	v7 =	vld [tilespmem:s25+$0xFFFFFFB0];
	v1 =	vmul.bf16 v2, v1  }
0x5d: {  	v2 =	vld [tilespmem:s24+$0xFFFFFFB0]  }
0x5e: {  	v3 =	vmul.bf16 v3, v4;
	v54 =	vunpack.i.u.bf16.f32 v1;
	v1 =	vunpack.i.l.bf16.f32 v1  }
0x5f: {  	v1 =	vadd.f32 $0.0e+00, v1;
	v4 =	vadd.f32 $0.0e+00, v54  }
0x60: {  	v5 =	vmul.bf16 v5, v6;
	v55 =	vunpack.i.u.bf16.f32 v3;
	v3 =	vunpack.i.l.bf16.f32 v3  }
0x61: {  	v1 =	vadd.f32 v3, v1;
	v3 =	vadd.f32 v55, v4  }
0x62: {  	v4 =	vunpack.i.u.bf16.f32 v5;
	v5 =	vunpack.i.l.bf16.f32 v5;
	v2 =	vmul.bf16 v2, v7  }
0x63: {  	v1 =	vadd.f32 v5, v1;
	v3 =	vadd.f32 v4, v3  }
0x64: {  	v4 =	vunpack.i.u.bf16.f32 v2;
	v2 =	vunpack.i.l.bf16.f32 v2  }
0x65: {  	v1 =	vadd.f32 v2, v1;
	v2 =	vadd.f32 v4, v3;
	_ =	sdelay $0x1  }
0x66: {  	v1 =	vadd.f32 v1, v2;
	_ =	sdelay $0x1  }
0x67: {  	s28 =	sadd.s32 $0x2, s26;
	(xrf2) =	vadd.scan.msk.f32 $0xffff, v1  }
0x68: {  	v1 =	vmov s28  }
0x69: {  	v1 =	vshrl.u32 v1, $0x3  }
0x6a: {  	v1 =	vshll.u32 v1, v0  }
0x6b: {  	v1 =	vadd.s32 $0x2, v1  }
0x6c: {  	v1 =	vbroadcast v1, $0x0;
	_ =	sdelay $0x4  }
0x6d: {  	v2, _, _ =	vpop (xrf2)  }
0x6e: {  	[tilespmem:v1+s17+$0x0] =	vst.idx.msk vm0, v2  }
0x6f: {  	v1 =	vld [tilespmem:s25+$0xFFFFFFC0]  }
0x70: {  	v2 =	vld [tilespmem:s24+$0xFFFFFFC0]  }
0x71: {  	v3 =	vld [tilespmem:s25+$0xFFFFFFD0]  }
0x72: {  	v4 =	vld [tilespmem:s24+$0xFFFFFFD0]  }
0x73: {  	v5 =	vld [tilespmem:s24+$0xFFFFFFE0]  }
0x74: {  	v6 =	vld [tilespmem:s25+$0xFFFFFFE0]  }
0x75: {  	v7 =	vld [tilespmem:s25+$0xFFFFFFF0];
	v1 =	vmul.bf16 v2, v1  }
0x76: {  	v2 =	vld [tilespmem:s24+$0xFFFFFFF0]  }
0x77: {  	v3 =	vmul.bf16 v4, v3;
	v56 =	vunpack.i.u.bf16.f32 v1;
	v1 =	vunpack.i.l.bf16.f32 v1  }
0x78: {  	v1 =	vadd.f32 $0.0e+00, v1;
	v4 =	vadd.f32 $0.0e+00, v56  }
0x79: {  	v5 =	vmul.bf16 v5, v6;
	v57 =	vunpack.i.u.bf16.f32 v3;
	v3 =	vunpack.i.l.bf16.f32 v3  }
0x7a: {  	v1 =	vadd.f32 v3, v1;
	v3 =	vadd.f32 v57, v4  }
0x7b: {  	v4 =	vunpack.i.u.bf16.f32 v5;
	v5 =	vunpack.i.l.bf16.f32 v5;
	v2 =	vmul.bf16 v2, v7  }
0x7c: {  	v1 =	vadd.f32 v5, v1;
	v3 =	vadd.f32 v4, v3  }
0x7d: {  	v4 =	vunpack.i.u.bf16.f32 v2;
	v2 =	vunpack.i.l.bf16.f32 v2  }
0x7e: {  	v1 =	vadd.f32 v2, v1;
	v2 =	vadd.f32 v4, v3;
	_ =	sdelay $0x1  }
0x7f: {  	v1 =	vadd.f32 v1, v2;
	_ =	sdelay $0x1  }
0x80: {  	s28 =	sadd.s32 $0x3, s26;
	(xrf2) =	vadd.scan.msk.f32 $0xffff, v1  }
0x81: {  	v1 =	vmov s28  }
0x82: {  	v1 =	vshrl.u32 v1, $0x3  }
0x83: {  	v1 =	vshll.u32 v1, v0  }
0x84: {  	v1 =	vadd.s32 $0x3, v1  }
0x85: {  	v1 =	vbroadcast v1, $0x0;
	_ =	sdelay $0x4  }
0x86: {  	v2, _, _ =	vpop (xrf2)  }
0x87: {  	[tilespmem:v1+s17+$0x0] =	vst.idx.msk vm0, v2  }
0x88: {  	v1 =	vld [tilespmem:s25+$0x0]  }
0x89: {  	v2 =	vld [tilespmem:s24+$0x0]  }
0x8a: {  	v3 =	vld [tilespmem:s24+$0x10]  }
0x8b: {  	v4 =	vld [tilespmem:s25+$0x10]  }
0x8c: {  	v5 =	vld [tilespmem:s24+$0x20]  }
0x8d: {  	v6 =	vld [tilespmem:s25+$0x20]  }
0x8e: {  	v7 =	vld [tilespmem:s25+$0x30];
	v1 =	vmul.bf16 v2, v1  }
0x8f: {  	v2 =	vld [tilespmem:s24+$0x30]  }
0x90: {  	v3 =	vmul.bf16 v3, v4;
	v58 =	vunpack.i.u.bf16.f32 v1;
	v1 =	vunpack.i.l.bf16.f32 v1  }
0x91: {  	v1 =	vadd.f32 $0.0e+00, v1;
	v4 =	vadd.f32 $0.0e+00, v58  }
0x92: {  	v5 =	vmul.bf16 v5, v6;
	v59 =	vunpack.i.u.bf16.f32 v3;
	v3 =	vunpack.i.l.bf16.f32 v3  }
0x93: {  	v1 =	vadd.f32 v3, v1;
	v3 =	vadd.f32 v59, v4  }
0x94: {  	v4 =	vunpack.i.u.bf16.f32 v5;
	v5 =	vunpack.i.l.bf16.f32 v5;
	v2 =	vmul.bf16 v2, v7  }
0x95: {  	v1 =	vadd.f32 v5, v1;
	v3 =	vadd.f32 v4, v3  }
0x96: {  	v4 =	vunpack.i.u.bf16.f32 v2;
	v2 =	vunpack.i.l.bf16.f32 v2  }
0x97: {  	v1 =	vadd.f32 v2, v1;
	v2 =	vadd.f32 v4, v3;
	_ =	sdelay $0x1  }
0x98: {  	v1 =	vadd.f32 v1, v2;
	_ =	sdelay $0x1  }
0x99: {  	s28 =	sadd.s32 $0x4, s26;
	(xrf2) =	vadd.scan.msk.f32 $0xffff, v1  }
0x9a: {  	v1 =	vmov s28  }
0x9b: {  	v1 =	vshrl.u32 v1, $0x3  }
0x9c: {  	v1 =	vshll.u32 v1, v0  }
0x9d: {  	v1 =	vadd.s32 $0x4, v1  }
0x9e: {  	v1 =	vbroadcast v1, $0x0;
	_ =	sdelay $0x4  }
0x9f: {  	v2, _, _ =	vpop (xrf2)  }
0xa0: {  	[tilespmem:v1+s17+$0x0] =	vst.idx.msk vm0, v2  }
0xa1: {  	v1 =	vld [tilespmem:s25+$0x40]  }
0xa2: {  	v2 =	vld [tilespmem:s24+$0x40]  }
0xa3: {  	v3 =	vld [tilespmem:s24+$0x50]  }
0xa4: {  	v4 =	vld [tilespmem:s25+$0x50]  }
0xa5: {  	v5 =	vld [tilespmem:s25+$0x60]  }
0xa6: {  	v6 =	vld [tilespmem:s24+$0x60]  }
0xa7: {  	v7 =	vld [tilespmem:s24+$0x70];
	v1 =	vmul.bf16 v2, v1  }
0xa8: {  	v2 =	vld [tilespmem:s25+$0x70]  }
0xa9: {  	v3 =	vmul.bf16 v3, v4;
	v60 =	vunpack.i.u.bf16.f32 v1;
	v1 =	vunpack.i.l.bf16.f32 v1  }
0xaa: {  	v1 =	vadd.f32 $0.0e+00, v1;
	v4 =	vadd.f32 $0.0e+00, v60  }
0xab: {  	v5 =	vmul.bf16 v6, v5;
	v61 =	vunpack.i.u.bf16.f32 v3;
	v3 =	vunpack.i.l.bf16.f32 v3  }
0xac: {  	v1 =	vadd.f32 v3, v1;
	v3 =	vadd.f32 v61, v4  }
0xad: {  	v4 =	vunpack.i.u.bf16.f32 v5;
	v5 =	vunpack.i.l.bf16.f32 v5;
	v2 =	vmul.bf16 v7, v2  }
0xae: {  	v1 =	vadd.f32 v5, v1;
	v3 =	vadd.f32 v4, v3  }
0xaf: {  	v4 =	vunpack.i.u.bf16.f32 v2;
	v2 =	vunpack.i.l.bf16.f32 v2  }
0xb0: {  	v1 =	vadd.f32 v2, v1;
	v2 =	vadd.f32 v4, v3;
	_ =	sdelay $0x1  }
0xb1: {  	v1 =	vadd.f32 v1, v2;
	_ =	sdelay $0x1  }
0xb2: {  	s28 =	sadd.s32 $0x5, s26;
	(xrf2) =	vadd.scan.msk.f32 $0xffff, v1  }
0xb3: {  	v1 =	vmov s28  }
0xb4: {  	v1 =	vshrl.u32 v1, $0x3  }
0xb5: {  	v1 =	vshll.u32 v1, v0  }
0xb6: {  	v1 =	vadd.s32 $0x5, v1  }
0xb7: {  	v1 =	vbroadcast v1, $0x0;
	_ =	sdelay $0x4  }
0xb8: {  	v2, _, _ =	vpop (xrf2)  }
0xb9: {  	[tilespmem:v1+s17+$0x0] =	vst.idx.msk vm0, v2  }
0xba: {  	v1 =	vld [tilespmem:s25+$0x80]  }
0xbb: {  	v2 =	vld [tilespmem:s24+$0x80]  }
0xbc: {  	v3 =	vld [tilespmem:s25+$0x90]  }
0xbd: {  	v4 =	vld [tilespmem:s24+$0x90]  }
0xbe: {  	v5 =	vld [tilespmem:s25+$0xA0]  }
0xbf: {  	v6 =	vld [tilespmem:s24+$0xA0]  }
0xc0: {  	v7 =	vld [tilespmem:s24+$0xB0];
	v1 =	vmul.bf16 v2, v1  }
0xc1: {  	v2 =	vld [tilespmem:s25+$0xB0]  }
0xc2: {  	v3 =	vmul.bf16 v4, v3;
	v62 =	vunpack.i.u.bf16.f32 v1;
	v1 =	vunpack.i.l.bf16.f32 v1  }
0xc3: {  	v1 =	vadd.f32 $0.0e+00, v1;
	v4 =	vadd.f32 $0.0e+00, v62  }
0xc4: {  	v5 =	vmul.bf16 v6, v5;
	v63 =	vunpack.i.u.bf16.f32 v3;
	v3 =	vunpack.i.l.bf16.f32 v3  }
0xc5: {  	v1 =	vadd.f32 v3, v1;
	v3 =	vadd.f32 v63, v4  }
0xc6: {  	v4 =	vunpack.i.u.bf16.f32 v5;
	v5 =	vunpack.i.l.bf16.f32 v5;
	v2 =	vmul.bf16 v7, v2  }
0xc7: {  	v1 =	vadd.f32 v5, v1;
	v3 =	vadd.f32 v4, v3  }
0xc8: {  	v4 =	vunpack.i.u.bf16.f32 v2;
	v2 =	vunpack.i.l.bf16.f32 v2  }
0xc9: {  	v1 =	vadd.f32 v2, v1;
	v2 =	vadd.f32 v4, v3;
	_ =	sdelay $0x1  }
0xca: {  	v1 =	vadd.f32 v1, v2;
	_ =	sdelay $0x1  }
0xcb: {  	s28 =	sadd.s32 $0x6, s26;
	(xrf2) =	vadd.scan.msk.f32 $0xffff, v1  }
0xcc: {  	v1 =	vmov s28  }
0xcd: {  	v1 =	vshrl.u32 v1, $0x3  }
0xce: {  	v1 =	vshll.u32 v1, v0  }
0xcf: {  	v1 =	vadd.s32 $0x6, v1  }
0xd0: {  	v1 =	vbroadcast v1, $0x0;
	_ =	sdelay $0x4  }
0xd1: {  	s26 =	sadd.s32 $0x7, s26;
	v2, _, _ =	vpop (xrf2)  }
0xd2: {  	v3 =	vmov s26;
	[tilespmem:v1+s17+$0x0] =	vst.idx.msk vm0, v2  }
0xd3: {  	v1 =	vshrl.u32 v3, $0x3;
	v3 =	vld [tilespmem:s25+$0xC0]  }
0xd4: {  	s29 =	simm.s32 $0x8;
	v1 =	vshll.u32 v1, v0;
	v4 =	vld [tilespmem:s24+$0xC0]  }
0xd5: {  	s30 =	simm.s32 $0x8120;
	s26 =	sshll.u32 s23, $0x1;
	s28 =	simm.s32 $0x4F20;
	v2 =	vld [tilespmem:s25+$0xD0];
	v1 =	vadd.s32 $0x7, v1  }
.LBB2_3:
0xd6: {  	p0 =	sne.s32 s29, $0xC0;
	v5 =	vld [tilespmem:s24+$0xD0];
	s25 =	sadd.s32 $0x200, s25;
	s30 =	sadd.s32 $0x200, s30  }
0xd7: {  	s31 =	smov.u32 s29;
	s29 =	sadd.s32 $0x8, s29;
	v6 =	vld [tilespmem:s28+$0xE0]  }
0xd8: {  	v7 =	vld [tilespmem:s24+$0xE0]  }
0xd9: {  	v3 =	vmul.bf16 v4, v3;
	v4 =	vld [tilespmem:s28+$0xF0];
	s28 =	smov.u32 s25  }
0xda: {  	v8 =	vld [tilespmem:s24+$0xF0];
	s24 =	smov.u32 s30  }
0xdb: {  	v9 =	vunpack.i.u.bf16.f32 v3;
	v3 =	vunpack.i.l.bf16.f32 v3;
	v2 =	vmul.bf16 v5, v2  }
0xdc: {  	v3 =	vadd.f32 $0.0e+00, v3;
	v5 =	vadd.f32 $0.0e+00, v9  }
0xdd: {  	v9 =	vunpack.i.u.bf16.f32 v2;
	v2 =	vunpack.i.l.bf16.f32 v2;
	v6 =	vmul.bf16 v7, v6  }
0xde: {  	v2 =	vadd.f32 v2, v3;
	v3 =	vadd.f32 v9, v5  }
0xdf: {  	v5 =	vunpack.i.u.bf16.f32 v6;
	v6 =	vunpack.i.l.bf16.f32 v6;
	v4 =	vmul.bf16 v8, v4  }
0xe0: {  	v2 =	vadd.f32 v6, v2;
	v3 =	vadd.f32 v5, v3  }
0xe1: {  	v5 =	vunpack.i.u.bf16.f32 v4;
	v4 =	vunpack.i.l.bf16.f32 v4  }
0xe2: {  	v2 =	vadd.f32 v4, v2;
	v3 =	vadd.f32 v5, v3;
	_ =	sdelay $0x1  }
0xe3: {  	v2 =	vadd.f32 v2, v3;
	_ =	sdelay $0x1  }
0xe4: {  	(xrf2) =	vadd.scan.msk.f32 $0xffff, v2;
	_ =	sdelay $0x4  }
0xe5: {  	v1 =	vbroadcast v1, $0x0;
	_ =	sdelay $0x4  }
0xe6: {  	v2, _, _ =	vpop (xrf2)  }
0xe7: {  	[tilespmem:v1+s17+$0x0] =	vst.idx.msk vm0, v2  }
0xe8: {  	v1 =	vld [tilespmem:s30+$0xFFFFFF00]  }
0xe9: {  	v2 =	vld [tilespmem:s25+$0xFFFFFF00]  }
0xea: {  	v3 =	vld [tilespmem:s25+$0xFFFFFF10];
	_ =	sdelay $0x1  }
0xeb: {  	v4 =	vld [tilespmem:s30+$0xFFFFFF10]  }
0xec: {  	v5 =	vld [tilespmem:s30+$0xFFFFFF20]  }
0xed: {  	v6 =	vld [tilespmem:s25+$0xFFFFFF20]  }
0xee: {  	v1 =	vmul.bf16 v1, v2;
	v2 =	vld [tilespmem:s30+$0xFFFFFF30]  }
0xef: {  	v7 =	vld [tilespmem:s25+$0xFFFFFF30]  }
0xf0: {  	v8 =	vunpack.i.u.bf16.f32 v1;
	v1 =	vunpack.i.l.bf16.f32 v1;
	v3 =	vmul.bf16 v4, v3  }
0xf1: {  	v1 =	vadd.f32 $0.0e+00, v1;
	v4 =	vadd.f32 $0.0e+00, v8  }
0xf2: {  	v8 =	vunpack.i.u.bf16.f32 v3;
	v3 =	vunpack.i.l.bf16.f32 v3;
	v5 =	vmul.bf16 v5, v6  }
0xf3: {  	v1 =	vadd.f32 v3, v1;
	v3 =	vadd.f32 v8, v4  }
0xf4: {  	v4 =	vunpack.i.u.bf16.f32 v5;
	v5 =	vunpack.i.l.bf16.f32 v5;
	v2 =	vmul.bf16 v2, v7  }
0xf5: {  	v1 =	vadd.f32 v5, v1;
	v3 =	vadd.f32 v4, v3  }
0xf6: {  	v4 =	vunpack.i.u.bf16.f32 v2;
	v2 =	vunpack.i.l.bf16.f32 v2  }
0xf7: {  	v1 =	vadd.f32 v2, v1;
	v2 =	vadd.f32 v4, v3;
	_ =	sdelay $0x1  }
0xf8: {  	v1 =	vadd.f32 v1, v2;
	_ =	sdelay $0x1  }
0xf9: {  	(xrf2) =	vadd.scan.msk.f32 $0xffff, v1  }
0xfa: {  	s31 =	sadd.s32 s31, s22  }
0xfb: {  	s1 =	sadd.s32 $0x1, s31;
	s0 =	sadd.s32 $0x2, s31;
	s8 =	sadd.s32 $0x3, s31;
	v1 =	vmov s31  }
0xfc: {  	s4 =	sadd.s32 $0x6, s31;
	v3 =	vmov s0;
	s0 =	sadd.s32 $0x4, s31;
	v2 =	vmov s1;
	s1 =	sadd.s32 $0x5, s31;
	v1 =	vshrl.u32 v1, $0x3  }
0xfd: {  	v3 =	vshrl.u32 v3, $0x3;
	v2 =	vshrl.u32 v2, $0x3;
	s31 =	sadd.s32 $0x7, s31;
	v1 =	vshll.u32 v1, v0  }
0xfe: {  	v3 =	vshll.u32 v3, v0;
	v2 =	vshll.u32 v2, v0;
	v1 =	vbroadcast v1, $0x0  }
0xff: {  	v6 =	vadd.s32 $0x2, v3;
	v7 =	vadd.s32 $0x1, v2;
	v2 =	vmov s8  }
0x100: {  	v3 =	vmov s0;
	v4 =	vmov s1;
	v2 =	vshrl.u32 v2, $0x3  }
0x101: {  	v3 =	vshrl.u32 v3, $0x3;
	v4 =	vshrl.u32 v4, $0x3;
	v2 =	vshll.u32 v2, v0  }
0x102: {  	v5 =	vadd.s32 $0x3, v2;
	v2 =	vshll.u32 v3, v0;
	v3 =	vshll.u32 v4, v0  }
0x103: {  	v4 =	vadd.s32 $0x4, v2;
	v3 =	vadd.s32 $0x5, v3;
	v2 =	vmov s4;
	v8, _, _ =	vpop (xrf2)  }
0x104: {  	[tilespmem:v1+s17+$0x0] =	vst.idx.msk vm0, v8;
	v1 =	vshrl.u32 v2, $0x3;
	v2 =	vmov s31  }
0x105: {  	v8 =	vld [tilespmem:s25+$0xFFFFFF40];
	v1 =	vshll.u32 v1, v0;
	v9 =	vshrl.u32 v2, $0x3  }
0x106: {  	v10 =	vld [tilespmem:s30+$0xFFFFFF40];
	v2 =	vadd.s32 $0x6, v1;
	v1 =	vshll.u32 v9, v0  }
0x107: {  	v9 =	vld [tilespmem:s25+$0xFFFFFF50];
	v1 =	vadd.s32 $0x7, v1  }
0x108: {  	v11 =	vld [tilespmem:s30+$0xFFFFFF50]  }
0x109: {  	v12 =	vld [tilespmem:s30+$0xFFFFFF60]  }
0x10a: {  	v13 =	vld [tilespmem:s25+$0xFFFFFF60]  }
0x10b: {  	v8 =	vmul.bf16 v10, v8;
	v10 =	vld [tilespmem:s30+$0xFFFFFF70]  }
0x10c: {  	v14 =	vld [tilespmem:s25+$0xFFFFFF70]  }
0x10d: {  	v15 =	vunpack.i.u.bf16.f32 v8;
	v8 =	vunpack.i.l.bf16.f32 v8;
	v9 =	vmul.bf16 v11, v9  }
0x10e: {  	v8 =	vadd.f32 $0.0e+00, v8;
	v11 =	vadd.f32 $0.0e+00, v15  }
0x10f: {  	v15 =	vunpack.i.u.bf16.f32 v9;
	v9 =	vunpack.i.l.bf16.f32 v9;
	v12 =	vmul.bf16 v12, v13  }
0x110: {  	v8 =	vadd.f32 v9, v8;
	v9 =	vadd.f32 v15, v11  }
0x111: {  	v11 =	vunpack.i.u.bf16.f32 v12;
	v12 =	vunpack.i.l.bf16.f32 v12;
	v10 =	vmul.bf16 v10, v14  }
0x112: {  	v8 =	vadd.f32 v12, v8;
	v9 =	vadd.f32 v11, v9  }
0x113: {  	v11 =	vunpack.i.u.bf16.f32 v10;
	v10 =	vunpack.i.l.bf16.f32 v10  }
0x114: {  	v8 =	vadd.f32 v10, v8;
	v9 =	vadd.f32 v11, v9;
	_ =	sdelay $0x1  }
0x115: {  	v8 =	vadd.f32 v8, v9;
	_ =	sdelay $0x1  }
0x116: {  	(xrf2) =	vadd.scan.msk.f32 $0xffff, v8;
	_ =	sdelay $0x4  }
0x117: {  	v7 =	vbroadcast v7, $0x0;
	_ =	sdelay $0x4  }
0x118: {  	v8, _, _ =	vpop (xrf2)  }
0x119: {  	[tilespmem:v7+s17+$0x0] =	vst.idx.msk vm0, v8  }
0x11a: {  	v7 =	vld [tilespmem:s25+$0xFFFFFF80]  }
0x11b: {  	v8 =	vld [tilespmem:s30+$0xFFFFFF80]  }
0x11c: {  	v9 =	vld [tilespmem:s30+$0xFFFFFF90]  }
0x11d: {  	v10 =	vld [tilespmem:s25+$0xFFFFFF90]  }
0x11e: {  	v11 =	vld [tilespmem:s30+$0xFFFFFFA0]  }
0x11f: {  	v12 =	vld [tilespmem:s25+$0xFFFFFFA0]  }
0x120: {  	v7 =	vmul.bf16 v8, v7;
	v8 =	vld [tilespmem:s30+$0xFFFFFFB0]  }
0x121: {  	v13 =	vld [tilespmem:s25+$0xFFFFFFB0]  }
0x122: {  	v14 =	vunpack.i.u.bf16.f32 v7;
	v7 =	vunpack.i.l.bf16.f32 v7;
	v9 =	vmul.bf16 v9, v10  }
0x123: {  	v7 =	vadd.f32 $0.0e+00, v7;
	v10 =	vadd.f32 $0.0e+00, v14  }
0x124: {  	v14 =	vunpack.i.u.bf16.f32 v9;
	v9 =	vunpack.i.l.bf16.f32 v9;
	v11 =	vmul.bf16 v11, v12  }
0x125: {  	v7 =	vadd.f32 v9, v7;
	v9 =	vadd.f32 v14, v10  }
0x126: {  	v10 =	vunpack.i.u.bf16.f32 v11;
	v11 =	vunpack.i.l.bf16.f32 v11;
	v8 =	vmul.bf16 v8, v13  }
0x127: {  	v7 =	vadd.f32 v11, v7;
	v9 =	vadd.f32 v10, v9  }
0x128: {  	v10 =	vunpack.i.u.bf16.f32 v8;
	v8 =	vunpack.i.l.bf16.f32 v8  }
0x129: {  	v7 =	vadd.f32 v8, v7;
	v8 =	vadd.f32 v10, v9;
	_ =	sdelay $0x1  }
0x12a: {  	v7 =	vadd.f32 v7, v8;
	_ =	sdelay $0x1  }
0x12b: {  	(xrf2) =	vadd.scan.msk.f32 $0xffff, v7;
	_ =	sdelay $0x4  }
0x12c: {  	v6 =	vbroadcast v6, $0x0;
	_ =	sdelay $0x4  }
0x12d: {  	v7, _, _ =	vpop (xrf2)  }
0x12e: {  	[tilespmem:v6+s17+$0x0] =	vst.idx.msk vm0, v7  }
0x12f: {  	v6 =	vld [tilespmem:s25+$0xFFFFFFC0]  }
0x130: {  	v7 =	vld [tilespmem:s30+$0xFFFFFFC0]  }
0x131: {  	v8 =	vld [tilespmem:s25+$0xFFFFFFD0]  }
0x132: {  	v9 =	vld [tilespmem:s30+$0xFFFFFFD0]  }
0x133: {  	v10 =	vld [tilespmem:s30+$0xFFFFFFE0]  }
0x134: {  	v11 =	vld [tilespmem:s25+$0xFFFFFFE0]  }
0x135: {  	v6 =	vmul.bf16 v7, v6;
	v7 =	vld [tilespmem:s30+$0xFFFFFFF0]  }
0x136: {  	v12 =	vld [tilespmem:s25+$0xFFFFFFF0]  }
0x137: {  	v13 =	vunpack.i.u.bf16.f32 v6;
	v6 =	vunpack.i.l.bf16.f32 v6;
	v8 =	vmul.bf16 v9, v8  }
0x138: {  	v6 =	vadd.f32 $0.0e+00, v6;
	v9 =	vadd.f32 $0.0e+00, v13  }
0x139: {  	v13 =	vunpack.i.u.bf16.f32 v8;
	v8 =	vunpack.i.l.bf16.f32 v8;
	v10 =	vmul.bf16 v10, v11  }
0x13a: {  	v6 =	vadd.f32 v8, v6;
	v8 =	vadd.f32 v13, v9  }
0x13b: {  	v9 =	vunpack.i.u.bf16.f32 v10;
	v10 =	vunpack.i.l.bf16.f32 v10;
	v7 =	vmul.bf16 v7, v12  }
0x13c: {  	v6 =	vadd.f32 v10, v6;
	v8 =	vadd.f32 v9, v8  }
0x13d: {  	v9 =	vunpack.i.u.bf16.f32 v7;
	v7 =	vunpack.i.l.bf16.f32 v7  }
0x13e: {  	v6 =	vadd.f32 v7, v6;
	v7 =	vadd.f32 v9, v8;
	_ =	sdelay $0x1  }
0x13f: {  	v6 =	vadd.f32 v6, v7;
	_ =	sdelay $0x1  }
0x140: {  	(xrf2) =	vadd.scan.msk.f32 $0xffff, v6;
	_ =	sdelay $0x4  }
0x141: {  	v5 =	vbroadcast v5, $0x0;
	_ =	sdelay $0x4  }
0x142: {  	v6, _, _ =	vpop (xrf2)  }
0x143: {  	[tilespmem:v5+s17+$0x0] =	vst.idx.msk vm0, v6  }
0x144: {  	v5 =	vld [tilespmem:s25+$0x0]  }
0x145: {  	v6 =	vld [tilespmem:s30+$0x0]  }
0x146: {  	v7 =	vld [tilespmem:s30+$0x10]  }
0x147: {  	v8 =	vld [tilespmem:s25+$0x10]  }
0x148: {  	v9 =	vld [tilespmem:s30+$0x20]  }
0x149: {  	v10 =	vld [tilespmem:s25+$0x20]  }
0x14a: {  	v5 =	vmul.bf16 v6, v5;
	v6 =	vld [tilespmem:s30+$0x30]  }
0x14b: {  	v11 =	vld [tilespmem:s25+$0x30]  }
0x14c: {  	v12 =	vunpack.i.u.bf16.f32 v5;
	v5 =	vunpack.i.l.bf16.f32 v5;
	v7 =	vmul.bf16 v7, v8  }
0x14d: {  	v5 =	vadd.f32 $0.0e+00, v5;
	v8 =	vadd.f32 $0.0e+00, v12  }
0x14e: {  	v12 =	vunpack.i.u.bf16.f32 v7;
	v7 =	vunpack.i.l.bf16.f32 v7;
	v9 =	vmul.bf16 v9, v10  }
0x14f: {  	v5 =	vadd.f32 v7, v5;
	v7 =	vadd.f32 v12, v8  }
0x150: {  	v8 =	vunpack.i.u.bf16.f32 v9;
	v9 =	vunpack.i.l.bf16.f32 v9;
	v6 =	vmul.bf16 v6, v11  }
0x151: {  	v5 =	vadd.f32 v9, v5;
	v7 =	vadd.f32 v8, v7  }
0x152: {  	v8 =	vunpack.i.u.bf16.f32 v6;
	v6 =	vunpack.i.l.bf16.f32 v6  }
0x153: {  	v5 =	vadd.f32 v6, v5;
	v6 =	vadd.f32 v8, v7;
	_ =	sdelay $0x1  }
0x154: {  	v5 =	vadd.f32 v5, v6;
	_ =	sdelay $0x1  }
0x155: {  	(xrf2) =	vadd.scan.msk.f32 $0xffff, v5;
	_ =	sdelay $0x4  }
0x156: {  	v4 =	vbroadcast v4, $0x0;
	_ =	sdelay $0x4  }
0x157: {  	v5, _, _ =	vpop (xrf2)  }
0x158: {  	[tilespmem:v4+s17+$0x0] =	vst.idx.msk vm0, v5  }
0x159: {  	v4 =	vld [tilespmem:s25+$0x40]  }
0x15a: {  	v5 =	vld [tilespmem:s30+$0x40]  }
0x15b: {  	v6 =	vld [tilespmem:s30+$0x50]  }
0x15c: {  	v7 =	vld [tilespmem:s25+$0x50]  }
0x15d: {  	v8 =	vld [tilespmem:s25+$0x60]  }
0x15e: {  	v9 =	vld [tilespmem:s30+$0x60]  }
0x15f: {  	v4 =	vmul.bf16 v5, v4;
	v5 =	vld [tilespmem:s25+$0x70]  }
0x160: {  	v10 =	vld [tilespmem:s30+$0x70]  }
0x161: {  	v11 =	vunpack.i.u.bf16.f32 v4;
	v4 =	vunpack.i.l.bf16.f32 v4;
	v6 =	vmul.bf16 v6, v7  }
0x162: {  	v4 =	vadd.f32 $0.0e+00, v4;
	v7 =	vadd.f32 $0.0e+00, v11  }
0x163: {  	v11 =	vunpack.i.u.bf16.f32 v6;
	v6 =	vunpack.i.l.bf16.f32 v6;
	v8 =	vmul.bf16 v9, v8  }
0x164: {  	v4 =	vadd.f32 v6, v4;
	v6 =	vadd.f32 v11, v7  }
0x165: {  	v7 =	vunpack.i.u.bf16.f32 v8;
	v8 =	vunpack.i.l.bf16.f32 v8;
	v5 =	vmul.bf16 v10, v5  }
0x166: {  	v4 =	vadd.f32 v8, v4;
	v6 =	vadd.f32 v7, v6  }
0x167: {  	v7 =	vunpack.i.u.bf16.f32 v5;
	v5 =	vunpack.i.l.bf16.f32 v5  }
0x168: {  	v4 =	vadd.f32 v5, v4;
	v5 =	vadd.f32 v7, v6;
	_ =	sdelay $0x1  }
0x169: {  	v4 =	vadd.f32 v4, v5;
	_ =	sdelay $0x1  }
0x16a: {  	(xrf2) =	vadd.scan.msk.f32 $0xffff, v4;
	_ =	sdelay $0x4  }
0x16b: {  	v3 =	vbroadcast v3, $0x0;
	_ =	sdelay $0x4  }
0x16c: {  	v4, _, _ =	vpop (xrf2)  }
0x16d: {  	[tilespmem:v3+s17+$0x0] =	vst.idx.msk vm0, v4  }
0x16e: {  	v3 =	vld [tilespmem:s25+$0x80]  }
0x16f: {  	v4 =	vld [tilespmem:s30+$0x80]  }
0x170: {  	v5 =	vld [tilespmem:s25+$0x90]  }
0x171: {  	v6 =	vld [tilespmem:s30+$0x90]  }
0x172: {  	v7 =	vld [tilespmem:s25+$0xA0]  }
0x173: {  	v8 =	vld [tilespmem:s30+$0xA0]  }
0x174: {  	v3 =	vmul.bf16 v4, v3;
	v4 =	vld [tilespmem:s25+$0xB0]  }
0x175: {  	v9 =	vld [tilespmem:s30+$0xB0]  }
0x176: {  	v10 =	vunpack.i.u.bf16.f32 v3;
	v3 =	vunpack.i.l.bf16.f32 v3;
	v5 =	vmul.bf16 v6, v5  }
0x177: {  	v3 =	vadd.f32 $0.0e+00, v3;
	v6 =	vadd.f32 $0.0e+00, v10  }
0x178: {  	v10 =	vunpack.i.u.bf16.f32 v5;
	v5 =	vunpack.i.l.bf16.f32 v5;
	v7 =	vmul.bf16 v8, v7  }
0x179: {  	v3 =	vadd.f32 v5, v3;
	v5 =	vadd.f32 v10, v6  }
0x17a: {  	v6 =	vunpack.i.u.bf16.f32 v7;
	v7 =	vunpack.i.l.bf16.f32 v7;
	v4 =	vmul.bf16 v9, v4  }
0x17b: {  	v3 =	vadd.f32 v7, v3;
	v5 =	vadd.f32 v6, v5  }
0x17c: {  	v6 =	vunpack.i.u.bf16.f32 v4;
	v4 =	vunpack.i.l.bf16.f32 v4  }
0x17d: {  	v3 =	vadd.f32 v4, v3;
	v4 =	vadd.f32 v6, v5;
	_ =	sdelay $0x1  }
0x17e: {  	v3 =	vadd.f32 v3, v4;
	_ =	sdelay $0x1  }
0x17f: {  	(xrf2) =	vadd.scan.msk.f32 $0xffff, v3;
	_ =	sdelay $0x4  }
0x180: {  	v2 =	vbroadcast v2, $0x0;
	_ =	sdelay $0x4  }
.Ltmp0:
0x181: {  	v3, _, _ =	vpop (xrf2);
	(pc) =	sbr.rel @p0 .LBB2_3-.Ltmp0, $4  }
0x182: {  	[tilespmem:v2+s17+$0x0] =	vst.idx.msk vm0, v3  }
0x183: {  	v3 =	vld [tilespmem:s25+$0xC0]  }
0x184: {  	v4 =	vld [tilespmem:s30+$0xC0]  }
0x185: {  	v2 =	vld [tilespmem:s25+$0xD0]  }
0x186: {  	v5 =	vld [tilespmem:s24+$0xD0]  }
0x187: {  	v6 =	vld [tilespmem:s28+$0xE0]  }
0x188: {  	v7 =	vld [tilespmem:s24+$0xE0]  }
0x189: {  	v40 =	vld [tilespmem:s28+$0xF0];
	v3 =	vmul.bf16 v4, v3  }
0x18a: {  	v8 =	vld [tilespmem:s24+$0xF0]  }
0x18b: {  	v9 =	vunpack.i.u.bf16.f32 v3;
	v3 =	vunpack.i.l.bf16.f32 v3;
	v2 =	vmul.bf16 v5, v2  }
0x18c: {  	v3 =	vadd.f32 $0.0e+00, v3;
	v41 =	vadd.f32 $0.0e+00, v9  }
0x18d: {  	v6 =	vmul.bf16 v7, v6;
	v42 =	vunpack.i.u.bf16.f32 v2;
	v2 =	vunpack.i.l.bf16.f32 v2  }
0x18e: {  	v2 =	vadd.f32 v2, v3;
	v3 =	vadd.f32 v42, v41  }
0x18f: {  	v4 =	vmul.bf16 v8, v40;
	v43 =	vunpack.i.u.bf16.f32 v6;
	v6 =	vunpack.i.l.bf16.f32 v6  }
0x190: {  	v2 =	vadd.f32 v6, v2;
	v3 =	vadd.f32 v43, v3  }
0x191: {  	v44 =	vunpack.i.u.bf16.f32 v4;
	v4 =	vunpack.i.l.bf16.f32 v4  }
0x192: {  	v2 =	vadd.f32 v4, v2;
	v3 =	vadd.f32 v44, v3;
	_ =	sdelay $0x1  }
0x193: {  	v2 =	vadd.f32 v2, v3;
	_ =	sdelay $0x1  }
0x194: {  	(xrf2) =	vadd.scan.msk.f32 $0xffff, v2;
	_ =	sdelay $0x4  }
0x195: {  	v1 =	vbroadcast v1, $0x0;
	_ =	sdelay $0x2  }
0x196: {  	s0 =	smin.u32 s26, $0x2F  }
0x197: {  	s0 =	smul.u32 $0xC8, s0  }
0x198: {  	v2, _, _ =	vpop (xrf2)  }
0x199: {  	s1 =	sadd.s32 $0x190, s0;
	[tilespmem:v1+s17+$0x0] =	vst.idx.msk vm0, v2  }
0x19a: {  	[tilespmem:s11], [sflag:$0x2] =	stream.indirect.gather [hbm4b:s2+s10], $0x40, s1, s10, $0xb8;
	[tilespmem:$0x13D30] =	vst v63  }
0x19b: {  	s0 =	sadd.s32 $0x28A0, s0  }
0x19c: {  	[tilespmem:s12], [sflag:$0x3] =	stream.indirect.gather [hbm4b:s2+s10], $0x40, s0, s10, $0xb8;
	[tilespmem:$0x13D30] =	vst v63  }
0x19d: {  	_ =	swait.ge [sflag:s18], $0x3200  }
0x19e: {  	[sflag:s18] =	ssyncset.done $0x0  }
0x19f: {  	[sflag:s18] =	ssyncadd.s32 $0xFFFFCE00  }
0x1a0: {  	_ =	swait.ge [sflag:s19], $0x3200  }
0x1a1: {  	[sflag:s19] =	ssyncset.done $0x0  }
0x1a2: {  	s24 =	simm.s32 $0xB320;
	[sflag:s19] =	ssyncadd.s32 $0xFFFFCE00  }
0x1a3: {  	s25 =	simm.s32 $0xE520;
	v1 =	vld [tilespmem:s24+$0xFFFFFF00]  }
0x1a4: {  	v2 =	vld [tilespmem:s25+$0xFFFFFF00]  }
0x1a5: {  	v3 =	vld [tilespmem:s25+$0xFFFFFF10]  }
0x1a6: {  	v45 =	vld [tilespmem:s24+$0xFFFFFF10]  }
0x1a7: {  	v46 =	vld [tilespmem:s25+$0xFFFFFF20]  }
0x1a8: {  	v47 =	vld [tilespmem:s24+$0xFFFFFF20]  }
0x1a9: {  	v48 =	vld [tilespmem:s24+$0xFFFFFF30];
	v1 =	vmul.bf16 v2, v1  }
0x1aa: {  	v2 =	vld [tilespmem:s25+$0xFFFFFF30]  }
0x1ab: {  	v3 =	vmul.bf16 v3, v45;
	v49 =	vunpack.i.u.bf16.f32 v1;
	v1 =	vunpack.i.l.bf16.f32 v1  }
0x1ac: {  	v1 =	vadd.f32 $0.0e+00, v1;
	v50 =	vadd.f32 $0.0e+00, v49  }
0x1ad: {  	v5 =	vmul.bf16 v46, v47;
	v51 =	vunpack.i.u.bf16.f32 v3;
	v3 =	vunpack.i.l.bf16.f32 v3  }
0x1ae: {  	v1 =	vadd.f32 v3, v1;
	v3 =	vadd.f32 v51, v50  }
0x1af: {  	v52 =	vunpack.i.u.bf16.f32 v5;
	v5 =	vunpack.i.l.bf16.f32 v5;
	v2 =	vmul.bf16 v2, v48  }
0x1b0: {  	v1 =	vadd.f32 v5, v1;
	v3 =	vadd.f32 v52, v3  }
0x1b1: {  	v53 =	vunpack.i.u.bf16.f32 v2;
	v2 =	vunpack.i.l.bf16.f32 v2  }
0x1b2: {  	v1 =	vadd.f32 v2, v1;
	v2 =	vadd.f32 v53, v3;
	_ =	sdelay $0x1  }
0x1b3: {  	v1 =	vadd.f32 v1, v2;
	_ =	sdelay $0x1  }
0x1b4: {  	s26 =	sadd.s32 $0x0, s22;
	(xrf2) =	vadd.scan.msk.f32 $0xffff, v1  }
0x1b5: {  	s31 =	sadd.s32 $0xC8, s26  }
0x1b6: {  	v1 =	vmov s31  }
0x1b7: {  	v1 =	vshrl.u32 v1, $0x3  }
0x1b8: {  	v1 =	vshll.u32 v1, v0  }
0x1b9: {  	v1 =	vbroadcast v1, $0x0;
	_ =	sdelay $0x4  }
0x1ba: {  	v2, _, _ =	vpop (xrf2)  }
0x1bb: {  	[tilespmem:v1+s17+$0x0] =	vst.idx.msk vm0, v2  }
0x1bc: {  	v1 =	vld [tilespmem:s24+$0xFFFFFF40]  }
0x1bd: {  	v2 =	vld [tilespmem:s25+$0xFFFFFF40]  }
0x1be: {  	v3 =	vld [tilespmem:s25+$0xFFFFFF50]  }
0x1bf: {  	v54 =	vld [tilespmem:s24+$0xFFFFFF50]  }
0x1c0: {  	v55 =	vld [tilespmem:s25+$0xFFFFFF60]  }
0x1c1: {  	v56 =	vld [tilespmem:s24+$0xFFFFFF60]  }
0x1c2: {  	v57 =	vld [tilespmem:s24+$0xFFFFFF70];
	v1 =	vmul.bf16 v2, v1  }
0x1c3: {  	v2 =	vld [tilespmem:s25+$0xFFFFFF70]  }
0x1c4: {  	v3 =	vmul.bf16 v3, v54;
	v58 =	vunpack.i.u.bf16.f32 v1;
	v1 =	vunpack.i.l.bf16.f32 v1  }
0x1c5: {  	v1 =	vadd.f32 $0.0e+00, v1;
	v59 =	vadd.f32 $0.0e+00, v58  }
0x1c6: {  	v5 =	vmul.bf16 v55, v56;
	v60 =	vunpack.i.u.bf16.f32 v3;
	v3 =	vunpack.i.l.bf16.f32 v3  }
0x1c7: {  	v1 =	vadd.f32 v3, v1;
	v3 =	vadd.f32 v60, v59  }
0x1c8: {  	v61 =	vunpack.i.u.bf16.f32 v5;
	v5 =	vunpack.i.l.bf16.f32 v5;
	v2 =	vmul.bf16 v2, v57  }
0x1c9: {  	v1 =	vadd.f32 v5, v1;
	v3 =	vadd.f32 v61, v3  }
0x1ca: {  	v62 =	vunpack.i.u.bf16.f32 v2;
	v2 =	vunpack.i.l.bf16.f32 v2  }
0x1cb: {  	v1 =	vadd.f32 v2, v1;
	v2 =	vadd.f32 v62, v3;
	_ =	sdelay $0x1  }
0x1cc: {  	v1 =	vadd.f32 v1, v2;
	_ =	sdelay $0x1  }
0x1cd: {  	s1 =	sadd.s32 $0xC9, s26;
	(xrf2) =	vadd.scan.msk.f32 $0xffff, v1  }
0x1ce: {  	v1 =	vmov s1  }
0x1cf: {  	v1 =	vshrl.u32 v1, $0x3  }
0x1d0: {  	v1 =	vshll.u32 v1, v0  }
0x1d1: {  	v1 =	vadd.s32 $0x1, v1  }
0x1d2: {  	v1 =	vbroadcast v1, $0x0;
	_ =	sdelay $0x4  }
0x1d3: {  	v2, _, _ =	vpop (xrf2)  }
0x1d4: {  	[tilespmem:v1+s17+$0x0] =	vst.idx.msk vm0, v2  }
0x1d5: {  	v1 =	vld [tilespmem:s24+$0xFFFFFF80]  }
0x1d6: {  	v2 =	vld [tilespmem:s25+$0xFFFFFF80]  }
0x1d7: {  	v3 =	vld [tilespmem:s25+$0xFFFFFF90]  }
0x1d8: {  	v63 =	vld [tilespmem:s24+$0xFFFFFF90]  }
0x1d9: {  	v12 =	vld [tilespmem:s25+$0xFFFFFFA0]  }
0x1da: {  	v13 =	vld [tilespmem:s24+$0xFFFFFFA0]  }
0x1db: {  	v14 =	vld [tilespmem:s24+$0xFFFFFFB0];
	v1 =	vmul.bf16 v2, v1  }
0x1dc: {  	v2 =	vld [tilespmem:s25+$0xFFFFFFB0]  }
0x1dd: {  	v3 =	vmul.bf16 v3, v63;
	v15 =	vunpack.i.u.bf16.f32 v1;
	v1 =	vunpack.i.l.bf16.f32 v1  }
0x1de: {  	v1 =	vadd.f32 $0.0e+00, v1;
	v16 =	vadd.f32 $0.0e+00, v15  }
0x1df: {  	v5 =	vmul.bf16 v12, v13;
	v17 =	vunpack.i.u.bf16.f32 v3;
	v3 =	vunpack.i.l.bf16.f32 v3  }
0x1e0: {  	v1 =	vadd.f32 v3, v1;
	v3 =	vadd.f32 v17, v16  }
0x1e1: {  	v18 =	vunpack.i.u.bf16.f32 v5;
	v5 =	vunpack.i.l.bf16.f32 v5;
	v2 =	vmul.bf16 v2, v14  }
0x1e2: {  	v1 =	vadd.f32 v5, v1;
	v3 =	vadd.f32 v18, v3  }
0x1e3: {  	v19 =	vunpack.i.u.bf16.f32 v2;
	v2 =	vunpack.i.l.bf16.f32 v2  }
0x1e4: {  	v1 =	vadd.f32 v2, v1;
	v2 =	vadd.f32 v19, v3;
	_ =	sdelay $0x1  }
0x1e5: {  	v1 =	vadd.f32 v1, v2;
	_ =	sdelay $0x1  }
0x1e6: {  	s4 =	sadd.s32 $0xCA, s26;
	(xrf2) =	vadd.scan.msk.f32 $0xffff, v1  }
0x1e7: {  	v1 =	vmov s4  }
0x1e8: {  	v1 =	vshrl.u32 v1, $0x3  }
0x1e9: {  	v1 =	vshll.u32 v1, v0  }
0x1ea: {  	v1 =	vadd.s32 $0x2, v1  }
0x1eb: {  	v1 =	vbroadcast v1, $0x0;
	_ =	sdelay $0x4  }
0x1ec: {  	v2, _, _ =	vpop (xrf2)  }
0x1ed: {  	[tilespmem:v1+s17+$0x0] =	vst.idx.msk vm0, v2  }
0x1ee: {  	v1 =	vld [tilespmem:s24+$0xFFFFFFC0]  }
0x1ef: {  	v2 =	vld [tilespmem:s25+$0xFFFFFFC0]  }
0x1f0: {  	v3 =	vld [tilespmem:s25+$0xFFFFFFD0]  }
0x1f1: {  	v20 =	vld [tilespmem:s24+$0xFFFFFFD0]  }
0x1f2: {  	v21 =	vld [tilespmem:s25+$0xFFFFFFE0]  }
0x1f3: {  	v22 =	vld [tilespmem:s24+$0xFFFFFFE0]  }
0x1f4: {  	v23 =	vld [tilespmem:s24+$0xFFFFFFF0];
	v1 =	vmul.bf16 v2, v1  }
0x1f5: {  	v2 =	vld [tilespmem:s25+$0xFFFFFFF0]  }
0x1f6: {  	v3 =	vmul.bf16 v3, v20;
	v24 =	vunpack.i.u.bf16.f32 v1;
	v1 =	vunpack.i.l.bf16.f32 v1  }
0x1f7: {  	v1 =	vadd.f32 $0.0e+00, v1;
	v25 =	vadd.f32 $0.0e+00, v24  }
0x1f8: {  	v5 =	vmul.bf16 v21, v22;
	v26 =	vunpack.i.u.bf16.f32 v3;
	v3 =	vunpack.i.l.bf16.f32 v3  }
0x1f9: {  	v1 =	vadd.f32 v3, v1;
	v3 =	vadd.f32 v26, v25  }
0x1fa: {  	v27 =	vunpack.i.u.bf16.f32 v5;
	v5 =	vunpack.i.l.bf16.f32 v5;
	v2 =	vmul.bf16 v2, v23  }
0x1fb: {  	v1 =	vadd.f32 v5, v1;
	v3 =	vadd.f32 v27, v3  }
0x1fc: {  	v28 =	vunpack.i.u.bf16.f32 v2;
	v2 =	vunpack.i.l.bf16.f32 v2  }
0x1fd: {  	v1 =	vadd.f32 v2, v1;
	v2 =	vadd.f32 v28, v3;
	_ =	sdelay $0x1  }
0x1fe: {  	v1 =	vadd.f32 v1, v2;
	_ =	sdelay $0x1  }
0x1ff: {  	s8 =	sadd.s32 $0xCB, s26;
	(xrf2) =	vadd.scan.msk.f32 $0xffff, v1  }
0x200: {  	v1 =	vmov s8  }
0x201: {  	v1 =	vshrl.u32 v1, $0x3  }
0x202: {  	v1 =	vshll.u32 v1, v0  }
0x203: {  	v1 =	vadd.s32 $0x3, v1  }
0x204: {  	v1 =	vbroadcast v1, $0x0;
	_ =	sdelay $0x4  }
0x205: {  	v2, _, _ =	vpop (xrf2)  }
0x206: {  	[tilespmem:v1+s17+$0x0] =	vst.idx.msk vm0, v2  }
0x207: {  	v1 =	vld [tilespmem:s24+$0x0]  }
0x208: {  	v2 =	vld [tilespmem:s25+$0x0]  }
0x209: {  	v3 =	vld [tilespmem:s25+$0x10]  }
0x20a: {  	v29 =	vld [tilespmem:s24+$0x10]  }
0x20b: {  	v30 =	vld [tilespmem:s25+$0x20]  }
0x20c: {  	v31 =	vld [tilespmem:s24+$0x20]  }
0x20d: {  	v32 =	vld [tilespmem:s24+$0x30];
	v1 =	vmul.bf16 v2, v1  }
0x20e: {  	v2 =	vld [tilespmem:s25+$0x30]  }
0x20f: {  	v3 =	vmul.bf16 v3, v29;
	v33 =	vunpack.i.u.bf16.f32 v1;
	v1 =	vunpack.i.l.bf16.f32 v1  }
0x210: {  	v1 =	vadd.f32 $0.0e+00, v1;
	v34 =	vadd.f32 $0.0e+00, v33  }
0x211: {  	v5 =	vmul.bf16 v30, v31;
	v35 =	vunpack.i.u.bf16.f32 v3;
	v3 =	vunpack.i.l.bf16.f32 v3  }
0x212: {  	v1 =	vadd.f32 v3, v1;
	v3 =	vadd.f32 v35, v34  }
0x213: {  	v36 =	vunpack.i.u.bf16.f32 v5;
	v5 =	vunpack.i.l.bf16.f32 v5;
	v2 =	vmul.bf16 v2, v32  }
0x214: {  	v1 =	vadd.f32 v5, v1;
	v3 =	vadd.f32 v36, v3  }
0x215: {  	v37 =	vunpack.i.u.bf16.f32 v2;
	v2 =	vunpack.i.l.bf16.f32 v2  }
0x216: {  	v1 =	vadd.f32 v2, v1;
	v2 =	vadd.f32 v37, v3;
	_ =	sdelay $0x1  }
0x217: {  	v1 =	vadd.f32 v1, v2;
	_ =	sdelay $0x1  }
0x218: {  	s28 =	sadd.s32 $0xCC, s26;
	(xrf2) =	vadd.scan.msk.f32 $0xffff, v1  }
0x219: {  	v1 =	vmov s28  }
0x21a: {  	v1 =	vshrl.u32 v1, $0x3  }
0x21b: {  	v1 =	vshll.u32 v1, v0  }
0x21c: {  	v1 =	vadd.s32 $0x4, v1  }
0x21d: {  	v1 =	vbroadcast v1, $0x0;
	_ =	sdelay $0x4  }
0x21e: {  	v2, _, _ =	vpop (xrf2)  }
0x21f: {  	[tilespmem:v1+s17+$0x0] =	vst.idx.msk vm0, v2  }
0x220: {  	v1 =	vld [tilespmem:s24+$0x40]  }
0x221: {  	v2 =	vld [tilespmem:s25+$0x40]  }
0x222: {  	v3 =	vld [tilespmem:s24+$0x50]  }
0x223: {  	v38 =	vld [tilespmem:s25+$0x50]  }
0x224: {  	v39 =	vld [tilespmem:s24+$0x60]  }
0x225: {  	v40 =	vld [tilespmem:s25+$0x60]  }
0x226: {  	v41 =	vld [tilespmem:s25+$0x70];
	v1 =	vmul.bf16 v2, v1  }
0x227: {  	v2 =	vld [tilespmem:s24+$0x70]  }
0x228: {  	v3 =	vmul.bf16 v38, v3;
	v42 =	vunpack.i.u.bf16.f32 v1;
	v1 =	vunpack.i.l.bf16.f32 v1  }
0x229: {  	v1 =	vadd.f32 $0.0e+00, v1;
	v43 =	vadd.f32 $0.0e+00, v42  }
0x22a: {  	v5 =	vmul.bf16 v40, v39;
	v44 =	vunpack.i.u.bf16.f32 v3;
	v3 =	vunpack.i.l.bf16.f32 v3  }
0x22b: {  	v1 =	vadd.f32 v3, v1;
	v3 =	vadd.f32 v44, v43  }
0x22c: {  	v45 =	vunpack.i.u.bf16.f32 v5;
	v5 =	vunpack.i.l.bf16.f32 v5;
	v2 =	vmul.bf16 v41, v2  }
0x22d: {  	v1 =	vadd.f32 v5, v1;
	v3 =	vadd.f32 v45, v3  }
0x22e: {  	v46 =	vunpack.i.u.bf16.f32 v2;
	v2 =	vunpack.i.l.bf16.f32 v2  }
0x22f: {  	v1 =	vadd.f32 v2, v1;
	v2 =	vadd.f32 v46, v3;
	_ =	sdelay $0x1  }
0x230: {  	v1 =	vadd.f32 v1, v2;
	_ =	sdelay $0x1  }
0x231: {  	s29 =	sadd.s32 $0xCD, s26;
	(xrf2) =	vadd.scan.msk.f32 $0xffff, v1  }
0x232: {  	v1 =	vmov s29  }
0x233: {  	v1 =	vshrl.u32 v1, $0x3  }
0x234: {  	v1 =	vshll.u32 v1, v0  }
0x235: {  	v1 =	vadd.s32 $0x5, v1  }
0x236: {  	v1 =	vbroadcast v1, $0x0;
	_ =	sdelay $0x4  }
0x237: {  	v2, _, _ =	vpop (xrf2)  }
0x238: {  	[tilespmem:v1+s17+$0x0] =	vst.idx.msk vm0, v2  }
0x239: {  	v1 =	vld [tilespmem:s24+$0x80]  }
0x23a: {  	v2 =	vld [tilespmem:s25+$0x80]  }
0x23b: {  	v3 =	vld [tilespmem:s24+$0x90]  }
0x23c: {  	v47 =	vld [tilespmem:s25+$0x90]  }
0x23d: {  	v48 =	vld [tilespmem:s24+$0xA0]  }
0x23e: {  	v49 =	vld [tilespmem:s25+$0xA0]  }
0x23f: {  	v50 =	vld [tilespmem:s25+$0xB0];
	v1 =	vmul.bf16 v2, v1  }
0x240: {  	v2 =	vld [tilespmem:s24+$0xB0]  }
0x241: {  	v3 =	vmul.bf16 v47, v3;
	v51 =	vunpack.i.u.bf16.f32 v1;
	v1 =	vunpack.i.l.bf16.f32 v1  }
0x242: {  	v1 =	vadd.f32 $0.0e+00, v1;
	v52 =	vadd.f32 $0.0e+00, v51  }
0x243: {  	v5 =	vmul.bf16 v49, v48;
	v53 =	vunpack.i.u.bf16.f32 v3;
	v3 =	vunpack.i.l.bf16.f32 v3  }
0x244: {  	v1 =	vadd.f32 v3, v1;
	v3 =	vadd.f32 v53, v52  }
0x245: {  	v54 =	vunpack.i.u.bf16.f32 v5;
	v5 =	vunpack.i.l.bf16.f32 v5;
	v2 =	vmul.bf16 v50, v2  }
0x246: {  	v1 =	vadd.f32 v5, v1;
	v3 =	vadd.f32 v54, v3  }
0x247: {  	v55 =	vunpack.i.u.bf16.f32 v2;
	v2 =	vunpack.i.l.bf16.f32 v2  }
0x248: {  	v1 =	vadd.f32 v2, v1;
	v2 =	vadd.f32 v55, v3;
	_ =	sdelay $0x1  }
0x249: {  	v1 =	vadd.f32 v1, v2;
	_ =	sdelay $0x1  }
0x24a: {  	s30 =	sadd.s32 $0xCE, s26;
	(xrf2) =	vadd.scan.msk.f32 $0xffff, v1  }
0x24b: {  	v1 =	vmov s30  }
0x24c: {  	v1 =	vshrl.u32 v1, $0x3  }
0x24d: {  	v1 =	vshll.u32 v1, v0  }
0x24e: {  	v1 =	vadd.s32 $0x6, v1  }
0x24f: {  	v1 =	vbroadcast v1, $0x0;
	_ =	sdelay $0x4  }
0x250: {  	v2, _, _ =	vpop (xrf2)  }
0x251: {  	[tilespmem:v1+s17+$0x0] =	vst.idx.msk vm0, v2  }
0x252: {  	v1 =	vld [tilespmem:s24+$0xC0]  }
0x253: {  	v2 =	vld [tilespmem:s25+$0xC0]  }
0x254: {  	v3 =	vld [tilespmem:s25+$0xD0]  }
0x255: {  	v56 =	vld [tilespmem:s24+$0xD0]  }
0x256: {  	v57 =	vld [tilespmem:s24+$0xE0]  }
0x257: {  	v58 =	vld [tilespmem:s25+$0xE0]  }
0x258: {  	v59 =	vld [tilespmem:s24+$0xF0];
	v1 =	vmul.bf16 v2, v1  }
0x259: {  	v2 =	vld [tilespmem:s25+$0xF0]  }
0x25a: {  	v3 =	vmul.bf16 v3, v56;
	v60 =	vunpack.i.u.bf16.f32 v1;
	v1 =	vunpack.i.l.bf16.f32 v1  }
0x25b: {  	v1 =	vadd.f32 $0.0e+00, v1;
	v4 =	vadd.f32 $0.0e+00, v60  }
0x25c: {  	v5 =	vmul.bf16 v58, v57;
	v61 =	vunpack.i.u.bf16.f32 v3;
	v3 =	vunpack.i.l.bf16.f32 v3  }
0x25d: {  	v1 =	vadd.f32 v3, v1;
	v3 =	vadd.f32 v61, v4  }
0x25e: {  	v62 =	vunpack.i.l.bf16.f32 v5;
	v5 =	vunpack.i.u.bf16.f32 v5;
	v2 =	vmul.bf16 v2, v59  }
0x25f: {  	v1 =	vadd.f32 v62, v1;
	v3 =	vadd.f32 v5, v3  }
0x260: {  	v63 =	vunpack.i.l.bf16.f32 v2;
	v2 =	vunpack.i.u.bf16.f32 v2  }
0x261: {  	s31 =	sadd.s32 $0xCF, s26;
	v1 =	vadd.f32 v63, v1;
	v2 =	vadd.f32 v2, v3  }
0x262: {  	v3 =	vmov s31  }
0x263: {  	v3 =	vshrl.u32 v3, $0x3;
	v2 =	vadd.f32 v1, v2  }
0x264: {  	v1 =	vshll.u32 v3, v0  }
0x265: {  	s26 =	simm.s32 $0x8;
	v1 =	vadd.s32 $0x7, v1;
	(xrf2) =	vadd.scan.msk.f32 $0xffff, v2  }
.LBB2_5:
0x266: {  	p0 =	sne.s32 s26, $0xC0;
	s24 =	sadd.s32 $0x200, s24;
	s25 =	sadd.s32 $0x200, s25  }
0x267: {  	s28 =	smov.u32 s26;
	s26 =	sadd.s32 $0x8, s26;
	_ =	sdelay $0x1  }
0x268: {  	v1 =	vbroadcast v1, $0x0;
	_ =	sdelay $0x5  }
0x269: {  	v2, _, _ =	vpop (xrf2)  }
0x26a: {  	[tilespmem:v1+s17+$0x0] =	vst.idx.msk vm0, v2;
	_ =	sdelay $0x1  }
0x26b: {  	v1 =	vld [tilespmem:s24+$0xFFFFFF00]  }
0x26c: {  	v2 =	vld [tilespmem:s25+$0xFFFFFF00]  }
0x26d: {  	v3 =	vld [tilespmem:s25+$0xFFFFFF10]  }
0x26e: {  	v4 =	vld [tilespmem:s24+$0xFFFFFF10]  }
0x26f: {  	v5 =	vld [tilespmem:s25+$0xFFFFFF20]  }
0x270: {  	v6 =	vld [tilespmem:s24+$0xFFFFFF20]  }
0x271: {  	v1 =	vmul.bf16 v2, v1;
	v2 =	vld [tilespmem:s25+$0xFFFFFF30]  }
0x272: {  	v7 =	vld [tilespmem:s24+$0xFFFFFF30]  }
0x273: {  	v8 =	vunpack.i.u.bf16.f32 v1;
	v1 =	vunpack.i.l.bf16.f32 v1;
	v3 =	vmul.bf16 v3, v4  }
0x274: {  	v1 =	vadd.f32 $0.0e+00, v1;
	v4 =	vadd.f32 $0.0e+00, v8  }
0x275: {  	v8 =	vunpack.i.u.bf16.f32 v3;
	v3 =	vunpack.i.l.bf16.f32 v3;
	v5 =	vmul.bf16 v5, v6  }
0x276: {  	v1 =	vadd.f32 v3, v1;
	v3 =	vadd.f32 v8, v4  }
0x277: {  	v4 =	vunpack.i.u.bf16.f32 v5;
	v5 =	vunpack.i.l.bf16.f32 v5;
	v2 =	vmul.bf16 v2, v7  }
0x278: {  	v1 =	vadd.f32 v5, v1;
	v3 =	vadd.f32 v4, v3  }
0x279: {  	v4 =	vunpack.i.u.bf16.f32 v2;
	v2 =	vunpack.i.l.bf16.f32 v2  }
0x27a: {  	v1 =	vadd.f32 v2, v1;
	v2 =	vadd.f32 v4, v3;
	_ =	sdelay $0x1  }
0x27b: {  	v1 =	vadd.f32 v1, v2;
	_ =	sdelay $0x1  }
0x27c: {  	s0 =	sadd.s32 s28, s22;
	(xrf2) =	vadd.scan.msk.f32 $0xffff, v1  }
0x27d: {  	s1 =	sadd.s32 $0xC8, s0;
	s4 =	sadd.s32 $0xC9, s0;
	s8 =	sadd.s32 $0xCA, s0  }
0x27e: {  	v3 =	vmov s8;
	s8 =	sadd.s32 $0xCD, s0;
	v2 =	vmov s4;
	s4 =	sadd.s32 $0xCC, s0;
	v1 =	vmov s1;
	s1 =	sadd.s32 $0xCB, s0  }
0x27f: {  	s28 =	sadd.s32 $0xCE, s0;
	v3 =	vshrl.u32 v3, $0x3;
	v2 =	vshrl.u32 v2, $0x3;
	s0 =	sadd.s32 $0xCF, s0;
	v1 =	vshrl.u32 v1, $0x3  }
0x280: {  	v3 =	vshll.u32 v3, v0;
	v2 =	vshll.u32 v2, v0;
	v1 =	vshll.u32 v1, v0  }
0x281: {  	v6 =	vadd.s32 $0x2, v3;
	v7 =	vadd.s32 $0x1, v2;
	v1 =	vbroadcast v1, $0x0  }
0x282: {  	v4 =	vmov s8;
	v3 =	vmov s4;
	v2 =	vmov s1  }
0x283: {  	v4 =	vshrl.u32 v4, $0x3;
	v3 =	vshrl.u32 v3, $0x3;
	v2 =	vshrl.u32 v2, $0x3  }
0x284: {  	v8 =	vshll.u32 v4, v0;
	v3 =	vshll.u32 v3, v0;
	v2 =	vshll.u32 v2, v0  }
0x285: {  	v4 =	vadd.s32 $0x4, v3;
	v3 =	vadd.s32 $0x5, v8;
	v5 =	vadd.s32 $0x3, v2  }
0x286: {  	v8 =	vmov s0;
	v2 =	vmov s28;
	v9, _, _ =	vpop (xrf2)  }
0x287: {  	[tilespmem:v1+s17+$0x0] =	vst.idx.msk vm0, v9;
	v1 =	vshrl.u32 v2, $0x3;
	v2 =	vshrl.u32 v8, $0x3  }
0x288: {  	v8 =	vld [tilespmem:s25+$0xFFFFFF50];
	v1 =	vshll.u32 v1, v0;
	v9 =	vshll.u32 v2, v0  }
0x289: {  	v10 =	vld [tilespmem:s24+$0xFFFFFF40];
	v2 =	vadd.s32 $0x6, v1;
	v1 =	vadd.s32 $0x7, v9  }
0x28a: {  	v9 =	vld [tilespmem:s25+$0xFFFFFF40];
	_ =	sdelay $0x1  }
0x28b: {  	v11 =	vld [tilespmem:s24+$0xFFFFFF50]  }
0x28c: {  	v12 =	vld [tilespmem:s25+$0xFFFFFF60]  }
0x28d: {  	v13 =	vld [tilespmem:s24+$0xFFFFFF60]  }
0x28e: {  	v9 =	vmul.bf16 v9, v10;
	v10 =	vld [tilespmem:s25+$0xFFFFFF70]  }
0x28f: {  	v14 =	vld [tilespmem:s24+$0xFFFFFF70]  }
0x290: {  	v15 =	vunpack.i.u.bf16.f32 v9;
	v9 =	vunpack.i.l.bf16.f32 v9;
	v8 =	vmul.bf16 v8, v11  }
0x291: {  	v9 =	vadd.f32 $0.0e+00, v9;
	v11 =	vadd.f32 $0.0e+00, v15  }
0x292: {  	v15 =	vunpack.i.u.bf16.f32 v8;
	v8 =	vunpack.i.l.bf16.f32 v8;
	v12 =	vmul.bf16 v12, v13  }
0x293: {  	v8 =	vadd.f32 v8, v9;
	v9 =	vadd.f32 v15, v11  }
0x294: {  	v11 =	vunpack.i.u.bf16.f32 v12;
	v12 =	vunpack.i.l.bf16.f32 v12;
	v10 =	vmul.bf16 v10, v14  }
0x295: {  	v8 =	vadd.f32 v12, v8;
	v9 =	vadd.f32 v11, v9  }
0x296: {  	v11 =	vunpack.i.u.bf16.f32 v10;
	v10 =	vunpack.i.l.bf16.f32 v10  }
0x297: {  	v8 =	vadd.f32 v10, v8;
	v9 =	vadd.f32 v11, v9;
	_ =	sdelay $0x1  }
0x298: {  	v8 =	vadd.f32 v8, v9;
	_ =	sdelay $0x1  }
0x299: {  	(xrf2) =	vadd.scan.msk.f32 $0xffff, v8;
	_ =	sdelay $0x4  }
0x29a: {  	v7 =	vbroadcast v7, $0x0;
	_ =	sdelay $0x4  }
0x29b: {  	v8, _, _ =	vpop (xrf2)  }
0x29c: {  	[tilespmem:v7+s17+$0x0] =	vst.idx.msk vm0, v8  }
0x29d: {  	v7 =	vld [tilespmem:s24+$0xFFFFFF80]  }
0x29e: {  	v8 =	vld [tilespmem:s25+$0xFFFFFF80]  }
0x29f: {  	v9 =	vld [tilespmem:s25+$0xFFFFFF90]  }
0x2a0: {  	v10 =	vld [tilespmem:s24+$0xFFFFFF90]  }
0x2a1: {  	v11 =	vld [tilespmem:s25+$0xFFFFFFA0]  }
0x2a2: {  	v12 =	vld [tilespmem:s24+$0xFFFFFFA0]  }
0x2a3: {  	v7 =	vmul.bf16 v8, v7;
	v8 =	vld [tilespmem:s25+$0xFFFFFFB0]  }
0x2a4: {  	v13 =	vld [tilespmem:s24+$0xFFFFFFB0]  }
0x2a5: {  	v14 =	vunpack.i.u.bf16.f32 v7;
	v7 =	vunpack.i.l.bf16.f32 v7;
	v9 =	vmul.bf16 v9, v10  }
0x2a6: {  	v7 =	vadd.f32 $0.0e+00, v7;
	v10 =	vadd.f32 $0.0e+00, v14  }
0x2a7: {  	v14 =	vunpack.i.u.bf16.f32 v9;
	v9 =	vunpack.i.l.bf16.f32 v9;
	v11 =	vmul.bf16 v11, v12  }
0x2a8: {  	v7 =	vadd.f32 v9, v7;
	v9 =	vadd.f32 v14, v10  }
0x2a9: {  	v10 =	vunpack.i.u.bf16.f32 v11;
	v11 =	vunpack.i.l.bf16.f32 v11;
	v8 =	vmul.bf16 v8, v13  }
0x2aa: {  	v7 =	vadd.f32 v11, v7;
	v9 =	vadd.f32 v10, v9  }
0x2ab: {  	v10 =	vunpack.i.u.bf16.f32 v8;
	v8 =	vunpack.i.l.bf16.f32 v8  }
0x2ac: {  	v7 =	vadd.f32 v8, v7;
	v8 =	vadd.f32 v10, v9;
	_ =	sdelay $0x1  }
0x2ad: {  	v7 =	vadd.f32 v7, v8;
	_ =	sdelay $0x1  }
0x2ae: {  	(xrf2) =	vadd.scan.msk.f32 $0xffff, v7;
	_ =	sdelay $0x4  }
0x2af: {  	v6 =	vbroadcast v6, $0x0;
	_ =	sdelay $0x4  }
0x2b0: {  	v7, _, _ =	vpop (xrf2)  }
0x2b1: {  	[tilespmem:v6+s17+$0x0] =	vst.idx.msk vm0, v7  }
0x2b2: {  	v6 =	vld [tilespmem:s24+$0xFFFFFFC0]  }
0x2b3: {  	v7 =	vld [tilespmem:s25+$0xFFFFFFC0]  }
0x2b4: {  	v8 =	vld [tilespmem:s25+$0xFFFFFFD0]  }
0x2b5: {  	v9 =	vld [tilespmem:s24+$0xFFFFFFD0]  }
0x2b6: {  	v10 =	vld [tilespmem:s25+$0xFFFFFFE0]  }
0x2b7: {  	v11 =	vld [tilespmem:s24+$0xFFFFFFE0]  }
0x2b8: {  	v6 =	vmul.bf16 v7, v6;
	v7 =	vld [tilespmem:s25+$0xFFFFFFF0]  }
0x2b9: {  	v12 =	vld [tilespmem:s24+$0xFFFFFFF0]  }
0x2ba: {  	v13 =	vunpack.i.u.bf16.f32 v6;
	v6 =	vunpack.i.l.bf16.f32 v6;
	v8 =	vmul.bf16 v8, v9  }
0x2bb: {  	v6 =	vadd.f32 $0.0e+00, v6;
	v9 =	vadd.f32 $0.0e+00, v13  }
0x2bc: {  	v13 =	vunpack.i.u.bf16.f32 v8;
	v8 =	vunpack.i.l.bf16.f32 v8;
	v10 =	vmul.bf16 v10, v11  }
0x2bd: {  	v6 =	vadd.f32 v8, v6;
	v8 =	vadd.f32 v13, v9  }
0x2be: {  	v9 =	vunpack.i.u.bf16.f32 v10;
	v10 =	vunpack.i.l.bf16.f32 v10;
	v7 =	vmul.bf16 v7, v12  }
0x2bf: {  	v6 =	vadd.f32 v10, v6;
	v8 =	vadd.f32 v9, v8  }
0x2c0: {  	v9 =	vunpack.i.u.bf16.f32 v7;
	v7 =	vunpack.i.l.bf16.f32 v7  }
0x2c1: {  	v6 =	vadd.f32 v7, v6;
	v7 =	vadd.f32 v9, v8;
	_ =	sdelay $0x1  }
0x2c2: {  	v6 =	vadd.f32 v6, v7;
	_ =	sdelay $0x1  }
0x2c3: {  	(xrf2) =	vadd.scan.msk.f32 $0xffff, v6;
	_ =	sdelay $0x4  }
0x2c4: {  	v5 =	vbroadcast v5, $0x0;
	_ =	sdelay $0x4  }
0x2c5: {  	v6, _, _ =	vpop (xrf2)  }
0x2c6: {  	[tilespmem:v5+s17+$0x0] =	vst.idx.msk vm0, v6  }
0x2c7: {  	v5 =	vld [tilespmem:s24+$0x0]  }
0x2c8: {  	v6 =	vld [tilespmem:s25+$0x0]  }
0x2c9: {  	v7 =	vld [tilespmem:s25+$0x10]  }
0x2ca: {  	v8 =	vld [tilespmem:s24+$0x10]  }
0x2cb: {  	v9 =	vld [tilespmem:s25+$0x20]  }
0x2cc: {  	v10 =	vld [tilespmem:s24+$0x20]  }
0x2cd: {  	v5 =	vmul.bf16 v6, v5;
	v6 =	vld [tilespmem:s25+$0x30]  }
0x2ce: {  	v11 =	vld [tilespmem:s24+$0x30]  }
0x2cf: {  	v12 =	vunpack.i.u.bf16.f32 v5;
	v5 =	vunpack.i.l.bf16.f32 v5;
	v7 =	vmul.bf16 v7, v8  }
0x2d0: {  	v5 =	vadd.f32 $0.0e+00, v5;
	v8 =	vadd.f32 $0.0e+00, v12  }
0x2d1: {  	v12 =	vunpack.i.u.bf16.f32 v7;
	v7 =	vunpack.i.l.bf16.f32 v7;
	v9 =	vmul.bf16 v9, v10  }
0x2d2: {  	v5 =	vadd.f32 v7, v5;
	v7 =	vadd.f32 v12, v8  }
0x2d3: {  	v8 =	vunpack.i.u.bf16.f32 v9;
	v9 =	vunpack.i.l.bf16.f32 v9;
	v6 =	vmul.bf16 v6, v11  }
0x2d4: {  	v5 =	vadd.f32 v9, v5;
	v7 =	vadd.f32 v8, v7  }
0x2d5: {  	v8 =	vunpack.i.u.bf16.f32 v6;
	v6 =	vunpack.i.l.bf16.f32 v6  }
0x2d6: {  	v5 =	vadd.f32 v6, v5;
	v6 =	vadd.f32 v8, v7;
	_ =	sdelay $0x1  }
0x2d7: {  	v5 =	vadd.f32 v5, v6;
	_ =	sdelay $0x1  }
0x2d8: {  	(xrf2) =	vadd.scan.msk.f32 $0xffff, v5;
	_ =	sdelay $0x4  }
0x2d9: {  	v4 =	vbroadcast v4, $0x0;
	_ =	sdelay $0x4  }
0x2da: {  	v5, _, _ =	vpop (xrf2)  }
0x2db: {  	[tilespmem:v4+s17+$0x0] =	vst.idx.msk vm0, v5  }
0x2dc: {  	v4 =	vld [tilespmem:s24+$0x40]  }
0x2dd: {  	v5 =	vld [tilespmem:s25+$0x40]  }
0x2de: {  	v6 =	vld [tilespmem:s24+$0x50]  }
0x2df: {  	v7 =	vld [tilespmem:s25+$0x50]  }
0x2e0: {  	v8 =	vld [tilespmem:s24+$0x60]  }
0x2e1: {  	v9 =	vld [tilespmem:s25+$0x60]  }
0x2e2: {  	v4 =	vmul.bf16 v5, v4;
	v5 =	vld [tilespmem:s24+$0x70]  }
0x2e3: {  	v10 =	vld [tilespmem:s25+$0x70]  }
0x2e4: {  	v11 =	vunpack.i.u.bf16.f32 v4;
	v4 =	vunpack.i.l.bf16.f32 v4;
	v6 =	vmul.bf16 v7, v6  }
0x2e5: {  	v4 =	vadd.f32 $0.0e+00, v4;
	v7 =	vadd.f32 $0.0e+00, v11  }
0x2e6: {  	v11 =	vunpack.i.u.bf16.f32 v6;
	v6 =	vunpack.i.l.bf16.f32 v6;
	v8 =	vmul.bf16 v9, v8  }
0x2e7: {  	v4 =	vadd.f32 v6, v4;
	v6 =	vadd.f32 v11, v7  }
0x2e8: {  	v7 =	vunpack.i.u.bf16.f32 v8;
	v8 =	vunpack.i.l.bf16.f32 v8;
	v5 =	vmul.bf16 v10, v5  }
0x2e9: {  	v4 =	vadd.f32 v8, v4;
	v6 =	vadd.f32 v7, v6  }
0x2ea: {  	v7 =	vunpack.i.u.bf16.f32 v5;
	v5 =	vunpack.i.l.bf16.f32 v5  }
0x2eb: {  	v4 =	vadd.f32 v5, v4;
	v5 =	vadd.f32 v7, v6;
	_ =	sdelay $0x1  }
0x2ec: {  	v4 =	vadd.f32 v4, v5;
	_ =	sdelay $0x1  }
0x2ed: {  	(xrf2) =	vadd.scan.msk.f32 $0xffff, v4;
	_ =	sdelay $0x4  }
0x2ee: {  	v3 =	vbroadcast v3, $0x0;
	_ =	sdelay $0x4  }
0x2ef: {  	v4, _, _ =	vpop (xrf2)  }
0x2f0: {  	[tilespmem:v3+s17+$0x0] =	vst.idx.msk vm0, v4  }
0x2f1: {  	v3 =	vld [tilespmem:s24+$0x80]  }
0x2f2: {  	v4 =	vld [tilespmem:s25+$0x80]  }
0x2f3: {  	v5 =	vld [tilespmem:s24+$0x90]  }
0x2f4: {  	v6 =	vld [tilespmem:s25+$0x90]  }
0x2f5: {  	v7 =	vld [tilespmem:s24+$0xA0]  }
0x2f6: {  	v8 =	vld [tilespmem:s25+$0xA0]  }
0x2f7: {  	v3 =	vmul.bf16 v4, v3;
	v4 =	vld [tilespmem:s24+$0xB0]  }
0x2f8: {  	v9 =	vld [tilespmem:s25+$0xB0]  }
0x2f9: {  	v10 =	vunpack.i.u.bf16.f32 v3;
	v3 =	vunpack.i.l.bf16.f32 v3;
	v5 =	vmul.bf16 v6, v5  }
0x2fa: {  	v3 =	vadd.f32 $0.0e+00, v3;
	v6 =	vadd.f32 $0.0e+00, v10  }
0x2fb: {  	v10 =	vunpack.i.u.bf16.f32 v5;
	v5 =	vunpack.i.l.bf16.f32 v5;
	v7 =	vmul.bf16 v8, v7  }
0x2fc: {  	v3 =	vadd.f32 v5, v3;
	v5 =	vadd.f32 v10, v6  }
0x2fd: {  	v6 =	vunpack.i.u.bf16.f32 v7;
	v7 =	vunpack.i.l.bf16.f32 v7;
	v4 =	vmul.bf16 v9, v4  }
0x2fe: {  	v3 =	vadd.f32 v7, v3;
	v5 =	vadd.f32 v6, v5  }
0x2ff: {  	v6 =	vunpack.i.u.bf16.f32 v4;
	v4 =	vunpack.i.l.bf16.f32 v4  }
0x300: {  	v3 =	vadd.f32 v4, v3;
	v4 =	vadd.f32 v6, v5;
	_ =	sdelay $0x1  }
0x301: {  	v3 =	vadd.f32 v3, v4;
	_ =	sdelay $0x1  }
0x302: {  	(xrf2) =	vadd.scan.msk.f32 $0xffff, v3;
	_ =	sdelay $0x4  }
0x303: {  	v2 =	vbroadcast v2, $0x0;
	_ =	sdelay $0x4  }
0x304: {  	v3, _, _ =	vpop (xrf2)  }
0x305: {  	[tilespmem:v2+s17+$0x0] =	vst.idx.msk vm0, v3  }
0x306: {  	v2 =	vld [tilespmem:s24+$0xC0]  }
0x307: {  	v3 =	vld [tilespmem:s25+$0xD0]  }
0x308: {  	v4 =	vld [tilespmem:s24+$0xD0]  }
0x309: {  	v5 =	vld [tilespmem:s25+$0xC0]  }
0x30a: {  	v6 =	vld [tilespmem:s24+$0xE0]  }
0x30b: {  	v7 =	vld [tilespmem:s25+$0xE0]  }
0x30c: {  	v8 =	vld [tilespmem:s24+$0xF0]  }
0x30d: {  	v3 =	vmul.bf16 v3, v4;
	v4 =	vld [tilespmem:s25+$0xF0]  }
0x30e: {  	v2 =	vmul.bf16 v5, v2;
	_ =	sdelay $0x1  }
0x30f: {  	v5 =	vunpack.i.u.bf16.f32 v2;
	v2 =	vunpack.i.l.bf16.f32 v2;
	v6 =	vmul.bf16 v7, v6  }
0x310: {  	v7 =	vunpack.i.u.bf16.f32 v3;
	v2 =	vadd.f32 $0.0e+00, v2;
	v5 =	vadd.f32 $0.0e+00, v5  }
0x311: {  	v3 =	vunpack.i.l.bf16.f32 v3;
	v9 =	vunpack.i.l.bf16.f32 v6;
	v4 =	vmul.bf16 v4, v8  }
0x312: {  	v2 =	vadd.f32 v3, v2;
	v3 =	vadd.f32 v7, v5;
	v5 =	vunpack.i.u.bf16.f32 v6  }
0x313: {  	v6 =	vunpack.i.l.bf16.f32 v4  }
0x314: {  	v4 =	vunpack.i.u.bf16.f32 v4;
	v2 =	vadd.f32 v9, v2;
	v3 =	vadd.f32 v5, v3;
	_ =	sdelay $0x1  }
.Ltmp1:
0x315: {  	v2 =	vadd.f32 v6, v2;
	v3 =	vadd.f32 v4, v3;
	(pc) =	sbr.rel @p0 .LBB2_5-.Ltmp1, $3  }
0x316: {  	_ = 	snop  }
0x317: {  	v2 =	vadd.f32 v2, v3;
	_ =	sdelay $0x1  }
0x318: {  	(xrf2) =	vadd.scan.msk.f32 $0xffff, v2  }
0x319: {  	_ =	sdelay $0x3  }
0x31a: {  	v1 =	vbroadcast v1, $0x0;
	s23 =	sadd.s32 $0x1, s23  }
0x31b: {  	p0 =	sne.s32 s23, $0x19  }
.Ltmp2:
0x31c: {  	_ = 	snop;
	(pc) =	sbr.rel @p0 .LBB2_2-.Ltmp2, $3  }
0x31d: {  	_ =	sdelay $0x1  }
0x31e: {  	v2, _, _ =	vpop (xrf2)  }
0x31f: {  	s22 =	sadd.s32 $0x190, s22;
	[tilespmem:v1+s17+$0x0] =	vst.idx.msk vm0, v2  }
0x320: {  	_ =	swait.ge [sflag:s15], $0x3200  }
0x321: {  	[sflag:s15] =	ssyncset.done $0x0  }
0x322: {  	[sflag:s15] =	ssyncadd.s32 $0xFFFFCE00  }
0x323: {  	s21 =	sadd.s32 $0x1, s21;
	_ =	swait.ge [sflag:s16], $0x3200  }
0x324: {  	p0 =	sne.s32 s21, s7;
	[sflag:s16] =	ssyncset.done $0x0  }
.Ltmp3:
0x325: {  	[sflag:s16] =	ssyncadd.s32 $0xFFFFCE00;
	(pc) =	sbr.rel @p0 .LBB2_1-.Ltmp3, $4  }
0x326: {  	[hbm4b:s6+s3] =	stream.linear.scatter [tilespmem:s17], [sflag:$0x6], $0x2710, $0x38;
	[tilespmem:$0x13D30] =	vst v63  }
0x327: {  	_ =	swait.ge [sflag:s20], $0x2710  }
0x328: {  	[sflag:s20] =	ssyncset.done $0x0  }
0x329: {  	[sflag:s20] =	ssyncadd.s32 $0xFFFFD8F0  }
0x32a: {  	_ =	sfence.sel $0x180000  }
0x32b: {  	[bflag:$0x0] =	sbarrier.arrive $0xFFFF  }
0x32c: {  	_ =	strace $0x90000047  }
0x32d: {  	s0 =	stileid.u32;
	[bflag:$0x2] =	sbarrier.arrive $0xFFFF  }
0x32e: {  	p0 =	sne.s32 s0, $0x0;
	s0 =	rddreg [dreg:$0x1]  }
0x32f: {  	s0 =	sadd.s32 @!p0 $0x100000, s0  }
0x330: {  	[sflag:s0] =	ssyncadd.tile.s32 @!p0 $0x1;
	_ =	shalt  }
.Lfunc_end2:
_tile_overlayer_lowered:
.L_overlay_start_2:
0x331: {  	(tag) =	ssettag $0x2  }
0x332: {  	s0 =	rddreg [dreg:$0x0];
	s2 =	stileid.u32  }
0x333: {  	s1 =	rddreg [dreg:$0x1];
	p0 =	sne.s32 s2, $0x0  }
0x334: {  	s3 =	rddreg [dreg:$0x2];
	[bflag:$0x3] =	sbarrier.arrive $0xFFFF;
	s2 =	simm.s32 @!p0 $0x1C06  }
0x335: {  	[timem:s3], [sflag:s2] =	dma.local @!p0 [hbm:s0], s1  }
0x336: {  	s0 =	simm.s32 @!p0 $0x6  }
0x337: {  	_ =	swait.ge @!p0 [sflag:s0], s1  }
0x338: {  	s1 =	ssub.s32 @!p0 $0x0, s1;
	[sflag:s0] =	ssyncset.done @!p0 $0x0  }
0x339: {  	[sflag:s0] =	ssyncadd.s32 @!p0 s1  }
0x33a: {  	[bflag:$0x3] =	sbarrier.arrive $0xFFFF  }
0x33b: {  	_ =	shalt  }

</sc_bundles>
